<compile_context>
chip_gen: v7x
topology: tpu7x:2x2x1
jax: 0.10.2.dev20260603
libtpu: 0.0.44.dev20260713+nightly
codegen_flags: <defaults>
</compile_context>

<pallas_src>
import functools

import jax
import jax.numpy as jnp
from jax import lax
from jax.experimental import pallas as pl
from jax.experimental.pallas import tpu as pltpu

MAX_DIST = 128
MAX_SENT_LEN = 256
NEG_INF = float('-inf')


def _wordproj_kernel(x_ref, w_ref, o_ref):
    o_ref[...] = jnp.dot(x_ref[...], w_ref[...],
                         preferred_element_type=jnp.float32)


TBL = 536
TXT = 544


def _trev_kernel(emb_ref, w1e_ref, o_ref):
    ep = jnp.dot(emb_ref[...], w1e_ref[...],
                 preferred_element_type=jnp.float32)
    j = lax.broadcasted_iota(jnp.int32, (TXT, MAX_DIST), 0)
    i = lax.broadcasted_iota(jnp.int32, (TXT, MAX_DIST), 1)
    e = (263 + (MAX_DIST - 2) // 2) - j
    tgt = jnp.where((e >= 0) & (e <= MAX_DIST - 2), e, MAX_DIST - 1)
    sel = (i == tgt).astype(jnp.float32)
    text = jnp.dot(sel, ep, preferred_element_type=jnp.float32)
    for v in range(8):
        o_ref[v, :, :] = text[v:v + TBL, :]


def _shift_dn(x):
    z = jnp.zeros((1, x.shape[1]), jnp.float32)
    return jnp.concatenate([z, x[:-1, :]], axis=0)


def _shift_up(x):
    z = jnp.zeros((1, x.shape[1]), jnp.float32)
    return jnp.concatenate([x[1:, :], z], axis=0)


def _head_kernel(starts_r, lens_r, offs_r, hids_r, ml_r,
                 wp_hbm, trev_ref, hw_ref, w1h_ref, w2_ref, w3_ref,
                 k10_ref, k11_ref, k12_ref, k20_ref, k21_ref, k22_ref,
                 b1_ref, b2_ref, b3_ref, c1b_ref, c2b_ref,
                 init_hbm, out_hbm,
                 wp_s, win_s, sem1, sem2):
    del init_hbm
    h = pl.program_id(0)
    n = pl.num_programs(0)
    start = starts_r[h]
    ln = lens_r[h]
    off = offs_r[h]
    ml = ml_r[0]

    L = MAX_SENT_LEN
    LP = L + 8
    a = (start // 8) * 8
    r = start - a
    slot = lax.rem(h, 2)
    nslot = 1 - slot

    def in_copy(idx, sl):
        aa = (starts_r[idx] // 8) * 8
        return pltpu.make_async_copy(wp_hbm.at[pl.ds(aa, LP), :],
                                     wp_s.at[sl], sem1.at[sl])

    def out_copy(base_row, sl):
        return pltpu.make_async_copy(win_s.at[sl],
                                     out_hbm.at[0, pl.ds(base_row, LP), :],
                                     sem2.at[sl])

    @pl.when(h == 0)
    def _():
        in_copy(h, slot).start()

    @pl.when(h + 1 < n)
    def _():
        in_copy(h + 1, nslot).start()

    in_copy(h, slot).wait()

    base = jnp.clip(263 - off - r, 0, TBL - LP)
    b_hi = (base // 8) * 8
    b_lo = base - b_hi
    e1 = trev_ref[b_lo, pl.ds(b_hi, LP), :]
    hp = jnp.dot(hw_ref[0], w1h_ref[...],
                 preferred_element_type=jnp.float32)
    pos = lax.broadcasted_iota(jnp.int32, (LP, 1), 0) - r

    b1 = b1_ref[...]
    pre = wp_s[slot] + e1 + hp + b1
    h1 = jnp.where((pos >= 0) & (pos < ln),
                   jnp.maximum(pre, 0.0), jnp.maximum(b1, 0.0))
    h2 = jnp.maximum(
        jnp.dot(h1, w2_ref[...], preferred_element_type=jnp.float32)
        + b2_ref[...], 0.0)
    h3 = jnp.dot(h2, w3_ref[...], preferred_element_type=jnp.float32) \
        + b3_ref[...]
    h3 = jnp.where((pos >= 0) & (pos < ml), h3, 0.0)

    r1 = (jnp.dot(_shift_dn(h3), k10_ref[...],
                  preferred_element_type=jnp.float32)
          + jnp.dot(h3, k11_ref[...], preferred_element_type=jnp.float32)
          + jnp.dot(_shift_up(h3), k12_ref[...],
                    preferred_element_type=jnp.float32)
          + c1b_ref[...])
    r1 = jnp.where((pos >= 0) & (pos < ml), r1, 0.0)
    z = (jnp.dot(_shift_dn(r1), k20_ref[...],
                 preferred_element_type=jnp.float32)
         + jnp.dot(r1, k21_ref[...], preferred_element_type=jnp.float32)
         + jnp.dot(_shift_up(r1), k22_ref[...],
                   preferred_element_type=jnp.float32)
         + c2b_ref[...])

    s0 = z[:, 0:1]
    s1 = z[:, 1:2]
    v0 = jnp.where((pos >= 0) & (pos < ln) & (pos <= off), s0, NEG_INF)
    v1 = jnp.where((pos < ln) & (pos >= off), s1, NEG_INF)

    @pl.when(h >= 2)
    def _():
        out_copy(a, slot).wait()

    win_s[slot] = jnp.concatenate([v0, v1], axis=1)
    cp2 = pltpu.make_async_copy(win_s.at[slot],
                                out_hbm.at[h, pl.ds(a, LP), :], sem2.at[slot])
    cp2.start()

    @pl.when(h == n - 1)
    def _():
        out_copy(a, slot).wait()
        out_copy(a, nslot).wait()


@functools.partial(jax.jit, static_argnames=())
def _impl(sent_id, words, heads_ids, emb, W1, b1, W2, b2, W3, b3,
          c1w, c1b, c2w, c2b):
    n_words = words.shape[0]
    n_heads = heads_ids.shape[0]
    input_size = words.shape[1]
    hidden = W1.shape[0]
    h2dim = W2.shape[0]
    demb = W3.shape[0]
    L = MAX_SENT_LEN

    heads_ids = heads_ids.astype(jnp.int32)
    sid_h = sent_id[heads_ids]
    starts = jnp.searchsorted(sent_id, sid_h, side='left').astype(jnp.int32)
    ends = jnp.searchsorted(sent_id, sid_h, side='right').astype(jnp.int32)
    lens = ends - starts
    offs = heads_ids - starts
    max_len = jnp.max(lens).reshape((1,))

    W1hT = W1[:, :input_size].T
    W1wT = W1[:, input_size:2 * input_size].T
    W1eT = W1[:, 2 * input_size:].T
    W2T = W2.T
    W3T = W3.T
    cc = c1w.shape[0]
    k1 = [jnp.pad(c1w[:, :, k].T, ((0, 0), (0, 128 - cc))) for k in range(3)]
    k2 = [jnp.pad(c2w[:, :, k].T, ((0, 128 - cc), (0, 126))) for k in range(3)]
    b1r = b1.reshape(1, hidden)
    b2r = b2.reshape(1, h2dim)
    b3r = b3.reshape(1, demb)
    c1br = jnp.pad(c1b, (0, 128 - cc)).reshape(1, 128)
    c2br = jnp.pad(c2b, (0, 126)).reshape(1, 128)

    npad = n_words + L
    nblk = n_words // L
    wordproj = pl.pallas_call(
        _wordproj_kernel,
        grid=(nblk + 1,),
        in_specs=[
            pl.BlockSpec((L, input_size),
                         lambda i: (jnp.minimum(i, nblk - 1), 0)),
            pl.BlockSpec((input_size, hidden), lambda i: (0, 0)),
        ],
        out_specs=pl.BlockSpec((L, hidden), lambda i: (i, 0)),
        out_shape=jax.ShapeDtypeStruct((npad, hidden), jnp.float32),
    )(words, W1wT)

    trev = pl.pallas_call(
        _trev_kernel,
        in_specs=[pl.BlockSpec(emb.shape, lambda: (0, 0)),
                  pl.BlockSpec((demb, hidden), lambda: (0, 0))],
        out_specs=pl.BlockSpec((8, TBL, hidden), lambda: (0, 0, 0)),
        out_shape=jax.ShapeDtypeStruct((8, TBL, hidden), jnp.float32),
    )(emb, W1eT)

    init = jnp.full((n_heads, npad, 2), NEG_INF, dtype=jnp.float32)

    grid_spec = pltpu.PrefetchScalarGridSpec(
        num_scalar_prefetch=5,
        grid=(n_heads,),
        in_specs=[
            pl.BlockSpec(memory_space=pl.ANY),
            pl.BlockSpec((8, TBL, hidden), lambda h, *_: (0, 0, 0)),
            pl.BlockSpec((1, 1, input_size),
                         lambda h, s, l, o, hid, ml: (hid[h], 0, 0)),
            pl.BlockSpec((input_size, hidden), lambda h, *_: (0, 0)),
            pl.BlockSpec((hidden, h2dim), lambda h, *_: (0, 0)),
            pl.BlockSpec((h2dim, demb), lambda h, *_: (0, 0)),
            pl.BlockSpec((demb, 128), lambda h, *_: (0, 0)),
            pl.BlockSpec((demb, 128), lambda h, *_: (0, 0)),
            pl.BlockSpec((demb, 128), lambda h, *_: (0, 0)),
            pl.BlockSpec((128, 128), lambda h, *_: (0, 0)),
            pl.BlockSpec((128, 128), lambda h, *_: (0, 0)),
            pl.BlockSpec((128, 128), lambda h, *_: (0, 0)),
            pl.BlockSpec((1, hidden), lambda h, *_: (0, 0)),
            pl.BlockSpec((1, h2dim), lambda h, *_: (0, 0)),
            pl.BlockSpec((1, demb), lambda h, *_: (0, 0)),
            pl.BlockSpec((1, 128), lambda h, *_: (0, 0)),
            pl.BlockSpec((1, 128), lambda h, *_: (0, 0)),
            pl.BlockSpec(memory_space=pl.ANY),
        ],
        out_specs=pl.BlockSpec(memory_space=pl.ANY),
        scratch_shapes=[
            pltpu.VMEM((2, L + 8, hidden), jnp.float32),
            pltpu.VMEM((2, L + 8, 2), jnp.float32),
            pltpu.SemaphoreType.DMA((2,)),
            pltpu.SemaphoreType.DMA((2,)),
        ],
    )

    out = pl.pallas_call(
        _head_kernel,
        grid_spec=grid_spec,
        out_shape=jax.ShapeDtypeStruct((n_heads, npad, 2), jnp.float32),
        input_output_aliases={22: 0},
        compiler_params=pltpu.CompilerParams(
            dimension_semantics=("arbitrary",)),
    )(starts, lens, offs, heads_ids, max_len,
      wordproj, trev, words.reshape(n_words, 1, input_size), W1hT, W2T, W3T,
      k1[0], k1[1], k1[2], k2[0], k2[1], k2[2],
      b1r, b2r, b3r, c1br, c2br, init)

    return out[:, :n_words, :]


def kernel(sent_id, words, heads_ids, emb, W1, b1, W2, b2, W3, b3,
           c1w, c1b, c2w, c2b):
    return _impl(sent_id, words, heads_ids, emb, W1, b1, W2, b2, W3, b3,
                 c1w, c1b, c2w, c2b)

# --- scband reference (transcript-rebuilt; emitter-appended) ---
"""Pipeline reference for scband-span-resolver-model-57492432224979 (READ-ONLY COPY).

The authoritative reference and input builder live on the scoring server;
editing this copy changes nothing except your own understanding.
"""

import jax, jax.numpy as jnp
import numpy as np

N_WORDS = 16384
N_HEADS = 512
N_SENTS = 1024
INPUT_SIZE = 768
HIDDEN = 512
DIST_EMB = 64
CONV_CH = 4
MAX_DIST = 128
MAX_SENT_LEN = 256


def conv1d(x, w, b):
    # x: (N, C, L), w: (O, I, K), padding=1 (as in the torch module)
    out = jax.lax.conv_general_dilated(x, w, window_strides=(1,), padding=[(1, 1)],
                                       dimension_numbers=('NCH', 'OIH', 'NCH'))
    return out + b[None, :, None]


def setup_inputs(seed: int = 0):
    key = jax.random.key(seed)
    ks = jax.random.split(key, 16)
    sent_id = jnp.sort(jax.random.randint(ks[0], (N_WORDS,), 0, N_SENTS))
    words = jax.random.normal(ks[1], (N_WORDS, INPUT_SIZE), dtype=jnp.float32)
    heads_ids = jax.random.randint(ks[2], (N_HEADS,), 0, N_WORDS)
    pair_dim = INPUT_SIZE * 2 + DIST_EMB
    emb = jax.random.normal(ks[3], (MAX_DIST, DIST_EMB), dtype=jnp.float32) * 0.02
    W1 = jax.random.normal(ks[4], (HIDDEN, pair_dim), dtype=jnp.float32) * 0.02
    b1 = jnp.zeros((HIDDEN,), dtype=jnp.float32)
    W2 = jax.random.normal(ks[5], (256, HIDDEN), dtype=jnp.float32) * 0.02
    b2 = jnp.zeros((256,), dtype=jnp.float32)
    W3 = jax.random.normal(ks[6], (DIST_EMB, 256), dtype=jnp.float32) * 0.02
    b3 = jnp.zeros((DIST_EMB,), dtype=jnp.float32)
    c1w = jax.random.normal(ks[7], (CONV_CH, DIST_EMB, 3), dtype=jnp.float32) * 0.02
    c1b = jnp.zeros((CONV_CH,), dtype=jnp.float32)
    c2w = jax.random.normal(ks[8], (2, CONV_CH, 3), dtype=jnp.float32) * 0.02
    c2b = jnp.zeros((2,), dtype=jnp.float32)
    return {"sent_id": sent_id, "words": words, "heads_ids": heads_ids, "emb": emb,
            "W1": W1, "b1": b1, "W2": W2, "b2": b2, "W3": W3, "b3": b3,
            "c1w": c1w, "c1b": c1b, "c2w": c2w, "c2b": c2b}


def reference(sent_id, words, heads_ids, emb, W1, b1, W2, b2, W3, b3, c1w, c1b, c2w, c2b):
    n_words = words.shape[0]
    n_heads = heads_ids.shape[0]
    rel = heads_ids[:, None] - jnp.arange(n_words)[None, :]
    md = MAX_DIST
    emb_ids = rel + (md - 2) // 2
    emb_ids = jnp.where((emb_ids < 0) | (emb_ids > md - 2), md - 1, emb_ids)
    same_sent = sent_id[heads_ids][:, None] == sent_id[None, :]
    lengths = same_sent.sum(axis=1)
    max_len = lengths.max()
    starts = jnp.searchsorted(sent_id, sent_id[heads_ids], side='left')
    pos = jnp.arange(MAX_SENT_LEN)
    cols_full = starts[:, None] + pos[None, :]
    cols_clip = jnp.clip(cols_full, 0, n_words - 1)
    valid = pos[None, :] < lengths[:, None]
    head_part = jnp.broadcast_to(words[heads_ids][:, None, :],
                                 (n_heads, MAX_SENT_LEN, words.shape[1]))
    word_part = words[cols_clip]
    emb_part = emb[jnp.take_along_axis(emb_ids, cols_clip, axis=1)]
    padded = jnp.where(valid[:, :, None],
                       jnp.concatenate([head_part, word_part, emb_part], axis=2),
                       jnp.float32(0.0))
    # FFNN (eval mode: dropout is identity)
    h = jax.nn.relu(padded @ W1.T + b1)
    h = jax.nn.relu(h @ W2.T + b2)
    h = h @ W3.T + b3
    seq_mask = pos < max_len
    h = jnp.where(seq_mask[None, :, None], h, jnp.float32(0.0))
    # conv over sequence dim
    res = conv1d(jnp.transpose(h, (0, 2, 1)), c1w, c1b)
    res = jnp.where(seq_mask[None, None, :], res, jnp.float32(0.0))
    res = conv1d(res, c2w, c2b)
    res = jnp.transpose(res, (0, 2, 1))
    rel_pos = jnp.clip(jnp.arange(n_words)[None, :] - starts[:, None], 0, MAX_SENT_LEN - 1)
    vals = jnp.take_along_axis(res, rel_pos[:, :, None], axis=1)
    scores = jnp.where(same_sent[:, :, None], vals, -jnp.inf)
    # eval-mode validity mask
    valid_starts = jnp.log((rel >= 0).astype(jnp.float32))
    valid_ends = jnp.log((rel <= 0).astype(jnp.float32))
    valid_positions = jnp.stack((valid_starts, valid_ends), axis=2)
    return scores + valid_positions

if __name__ == "__main__":
    import jax
    _d = setup_inputs()
    print(jax.jit(kernel)(*tuple(_d.values())))

</pallas_src>

<mosaic_0001>
module attributes {stable_mosaic.version = 14 : i64} {
  func.func @_wordproj_kernel(%arg0: i32, %arg1: memref<256x768xf32, #tpu.memory_space<vmem>>, %arg2: memref<768x512xf32, #tpu.memory_space<vmem>>, %arg3: memref<256x512xf32, #tpu.memory_space<vmem>>) attributes {dimension_semantics = [#tpu.dimension_semantics<arbitrary>], iteration_bounds = array<i64: 65>, scalar_prefetch = 0 : i64, scratch_operands = 0 : i64, tpu.core_type = #tpu.core_type<tc>, window_params = [{transform_indices = @transform_0, window_bounds = array<i64: 256, 768>}, {pipeline_mode = #tpu.pipeline_mode<synchronous>, transform_indices = @transform_1, window_bounds = array<i64: 768, 512>}, {transform_indices = @transform_2, window_bounds = array<i64: 256, 512>}]} {
    %get3A = arith.constant 0 : index
    %get3A_0 = arith.constant 0 : index
    %get3A_1 = vector.load %arg1[%get3A, %get3A_0] : memref<256x768xf32, #tpu.memory_space<vmem>>, vector<256x768xf32>
    %get3A_2 = arith.constant 0 : index
    %get3A_3 = arith.constant 0 : index
    %get3A_4 = vector.load %arg2[%get3A_2, %get3A_3] : memref<768x512xf32, #tpu.memory_space<vmem>>, vector<768x512xf32>
    %dot_general3A = arith.constant dense<0.000000e+00> : vector<256x512xf32>
    %dot_general3A_5 = tpu.matmul %get3A_1, %get3A_4, %dot_general3A {dimension_numbers = #tpu.dot_dimension_numbers<[1], [0], [0], [1], [0, 0, 1, 1], [], []>, transpose_lhs_hint = false} : vector<256x768xf32>, vector<768x512xf32>, vector<256x512xf32> -> vector<256x512xf32>
    %swap3A = arith.constant 0 : index
    %swap3A_6 = arith.constant 0 : index
    %swap3A_7 = vector.load %arg3[%swap3A, %swap3A_6] : memref<256x512xf32, #tpu.memory_space<vmem>>, vector<256x512xf32>
    tpu.vector_store %arg3[%swap3A, %swap3A_6], %dot_general3A_5 {strides = array<i32>} : memref<256x512xf32, #tpu.memory_space<vmem>>, vector<256x512xf32>,
    return
  }
  func.func @transform_0(%arg0: i32) -> (i32, i32) {
    %min3A = arith.constant 63 : i32
    %min3A_0 = arith.minsi %arg0, %min3A : i32
    %c0_i32 = arith.constant 0 : i32
    %c0_i32_1 = arith.constant 0 : i32
    return %min3A_0, %c0_i32 : i32, i32
  }
  func.func @transform_1(%arg0: i32) -> (i32, i32) {
    %c0_i32 = arith.constant 0 : i32
    %c0_i32_0 = arith.constant 0 : i32
    %c0_i32_1 = arith.constant 0 : i32
    return %c0_i32, %c0_i32_0 : i32, i32
  }
  func.func @transform_2(%arg0: i32) -> (i32, i32) {
    %c0_i32 = arith.constant 0 : i32
    %c0_i32_0 = arith.constant 0 : i32
    return %arg0, %c0_i32 : i32, i32
  }
}

module attributes {stable_mosaic.version = 14 : i64} {
  func.func @_trev_kernel(%arg0: memref<128x64xf32, #tpu.memory_space<vmem>>, %arg1: memref<64x512xf32, #tpu.memory_space<vmem>>, %arg2: memref<8x536x512xf32, #tpu.memory_space<vmem>>) attributes {dimension_semantics = [], scalar_prefetch = 0 : i64, scratch_operands = 0 : i64, tpu.core_type = #tpu.core_type<tc>} {
    %get3A = arith.constant 0 : index
    %get3A_0 = arith.constant 0 : index
    %get3A_1 = vector.load %arg0[%get3A, %get3A_0] : memref<128x64xf32, #tpu.memory_space<vmem>>, vector<128x64xf32>
    %get3A_2 = arith.constant 0 : index
    %get3A_3 = arith.constant 0 : index
    %get3A_4 = vector.load %arg1[%get3A_2, %get3A_3] : memref<64x512xf32, #tpu.memory_space<vmem>>, vector<64x512xf32>
    %dot_general3A = arith.constant dense<0.000000e+00> : vector<128x512xf32>
    %dot_general3A_5 = tpu.matmul %get3A_1, %get3A_4, %dot_general3A {dimension_numbers = #tpu.dot_dimension_numbers<[1], [0], [0], [1], [0, 0, 1, 1], [], []>, transpose_lhs_hint = false} : vector<128x64xf32>, vector<64x512xf32>, vector<128x512xf32> -> vector<128x512xf32>
    %iota3A = tpu.iota {dimensions = array<i32: 0>} : vector<544x128xi32>
    %iota3A_6 = tpu.iota {dimensions = array<i32: 1>} : vector<544x128xi32>
    %sub3A = arith.constant 326 : i32
    %sub3A_7 = vector.broadcast %sub3A : i32 to vector<544x128xi32>
    %sub3A_8 = arith.subi %sub3A_7, %iota3A : vector<544x128xi32>
    %ge3A = arith.constant 0 : i32
    %ge3A_9 = vector.broadcast %ge3A : i32 to vector<544x128xi32>
    %ge3A_10 = arith.cmpi sge, %sub3A_8, %ge3A_9 : vector<544x128xi32>
    %le3A = arith.constant 126 : i32
    %le3A_11 = vector.broadcast %le3A : i32 to vector<544x128xi32>
    %le3A_12 = arith.cmpi sle, %sub3A_8, %le3A_11 : vector<544x128xi32>
    %and3A = arith.andi %ge3A_10, %le3A_12 : vector<544x128xi1>
    %jit3A = arith.constant 127 : i32
    %broadcast_in_dim3A = vector.broadcast %jit3A : i32 to vector<544x128xi32>
    %select_n3A = arith.select %and3A, %sub3A_8, %broadcast_in_dim3A : vector<544x128xi1>, vector<544x128xi32>
    %eq3A = arith.cmpi eq, %iota3A_6, %select_n3A : vector<544x128xi32>
    %convert_element_type3A = arith.extui %eq3A : vector<544x128xi1> to vector<544x128xi32>
    %convert_element_type3A_13 = arith.sitofp %convert_element_type3A : vector<544x128xi32> to vector<544x128xf32>
    %dot_general3A_14 = arith.constant dense<0.000000e+00> : vector<544x512xf32>
    %dot_general3A_15 = tpu.matmul %convert_element_type3A_13, %dot_general3A_5, %dot_general3A_14 {dimension_numbers = #tpu.dot_dimension_numbers<[1], [0], [0], [1], [0, 0, 1, 1], [], []>, transpose_lhs_hint = false} : vector<544x128xf32>, vector<128x512xf32>, vector<544x512xf32> -> vector<544x512xf32>
    %slice3A = vector.extract_strided_slice %dot_general3A_15 {offsets = [0, 0], sizes = [536, 512], strides = [1, 1]} : vector<544x512xf32> to vector<536x512xf32>
    %swap3A = arith.constant 0 : index
    %swap3A_16 = arith.constant 0 : index
    %swap3A_17 = arith.constant 0 : index
    %swap3A_18 = vector.load %arg2[%swap3A, %swap3A_16, %swap3A_17] : memref<8x536x512xf32, #tpu.memory_space<vmem>>, vector<1x536x512xf32>
    %swap3A_19 = vector.shape_cast %swap3A_18 : vector<1x536x512xf32> to vector<536x512xf32>
    %swap3A_20 = vector.shape_cast %slice3A : vector<536x512xf32> to vector<1x536x512xf32>
    tpu.vector_store %arg2[%swap3A, %swap3A_16, %swap3A_17], %swap3A_20 {strides = array<i32>} : memref<8x536x512xf32, #tpu.memory_space<vmem>>, vector<1x536x512xf32>,
    %slice3A_21 = vector.extract_strided_slice %dot_general3A_15 {offsets = [1, 0], sizes = [536, 512], strides = [1, 1]} : vector<544x512xf32> to vector<536x512xf32>
    %swap3A_22 = arith.constant 1 : index
    %swap3A_23 = arith.constant 0 : index
    %swap3A_24 = arith.constant 0 : index
    %swap3A_25 = vector.load %arg2[%swap3A_22, %swap3A_23, %swap3A_24] : memref<8x536x512xf32, #tpu.memory_space<vmem>>, vector<1x536x512xf32>
    %swap3A_26 = vector.shape_cast %swap3A_25 : vector<1x536x512xf32> to vector<536x512xf32>
    %swap3A_27 = vector.shape_cast %slice3A_21 : vector<536x512xf32> to vector<1x536x512xf32>
    tpu.vector_store %arg2[%swap3A_22, %swap3A_23, %swap3A_24], %swap3A_27 {strides = array<i32>} : memref<8x536x512xf32, #tpu.memory_space<vmem>>, vector<1x536x512xf32>,
    %slice3A_28 = vector.extract_strided_slice %dot_general3A_15 {offsets = [2, 0], sizes = [536, 512], strides = [1, 1]} : vector<544x512xf32> to vector<536x512xf32>
    %swap3A_29 = arith.constant 2 : index
    %swap3A_30 = arith.constant 0 : index
    %swap3A_31 = arith.constant 0 : index
    %swap3A_32 = vector.load %arg2[%swap3A_29, %swap3A_30, %swap3A_31] : memref<8x536x512xf32, #tpu.memory_space<vmem>>, vector<1x536x512xf32>
    %swap3A_33 = vector.shape_cast %swap3A_32 : vector<1x536x512xf32> to vector<536x512xf32>
    %swap3A_34 = vector.shape_cast %slice3A_28 : vector<536x512xf32> to vector<1x536x512xf32>
    tpu.vector_store %arg2[%swap3A_29, %swap3A_30, %swap3A_31], %swap3A_34 {strides = array<i32>} : memref<8x536x512xf32, #tpu.memory_space<vmem>>, vector<1x536x512xf32>,
    %slice3A_35 = vector.extract_strided_slice %dot_general3A_15 {offsets = [3, 0], sizes = [536, 512], strides = [1, 1]} : vector<544x512xf32> to vector<536x512xf32>
    %swap3A_36 = arith.constant 3 : index
    %swap3A_37 = arith.constant 0 : index
    %swap3A_38 = arith.constant 0 : index
    %swap3A_39 = vector.load %arg2[%swap3A_36, %swap3A_37, %swap3A_38] : memref<8x536x512xf32, #tpu.memory_space<vmem>>, vector<1x536x512xf32>
    %swap3A_40 = vector.shape_cast %swap3A_39 : vector<1x536x512xf32> to vector<536x512xf32>
    %swap3A_41 = vector.shape_cast %slice3A_35 : vector<536x512xf32> to vector<1x536x512xf32>
    tpu.vector_store %arg2[%swap3A_36, %swap3A_37, %swap3A_38], %swap3A_41 {strides = array<i32>} : memref<8x536x512xf32, #tpu.memory_space<vmem>>, vector<1x536x512xf32>,
    %slice3A_42 = vector.extract_strided_slice %dot_general3A_15 {offsets = [4, 0], sizes = [536, 512], strides = [1, 1]} : vector<544x512xf32> to vector<536x512xf32>
    %swap3A_43 = arith.constant 4 : index
    %swap3A_44 = arith.constant 0 : index
    %swap3A_45 = arith.constant 0 : index
    %swap3A_46 = vector.load %arg2[%swap3A_43, %swap3A_44, %swap3A_45] : memref<8x536x512xf32, #tpu.memory_space<vmem>>, vector<1x536x512xf32>
    %swap3A_47 = vector.shape_cast %swap3A_46 : vector<1x536x512xf32> to vector<536x512xf32>
    %swap3A_48 = vector.shape_cast %slice3A_42 : vector<536x512xf32> to vector<1x536x512xf32>
    tpu.vector_store %arg2[%swap3A_43, %swap3A_44, %swap3A_45], %swap3A_48 {strides = array<i32>} : memref<8x536x512xf32, #tpu.memory_space<vmem>>, vector<1x536x512xf32>,
    %slice3A_49 = vector.extract_strided_slice %dot_general3A_15 {offsets = [5, 0], sizes = [536, 512], strides = [1, 1]} : vector<544x512xf32> to vector<536x512xf32>
    %swap3A_50 = arith.constant 5 : index
    %swap3A_51 = arith.constant 0 : index
    %swap3A_52 = arith.constant 0 : index
    %swap3A_53 = vector.load %arg2[%swap3A_50, %swap3A_51, %swap3A_52] : memref<8x536x512xf32, #tpu.memory_space<vmem>>, vector<1x536x512xf32>
    %swap3A_54 = vector.shape_cast %swap3A_53 : vector<1x536x512xf32> to vector<536x512xf32>
    %swap3A_55 = vector.shape_cast %slice3A_49 : vector<536x512xf32> to vector<1x536x512xf32>
    tpu.vector_store %arg2[%swap3A_50, %swap3A_51, %swap3A_52], %swap3A_55 {strides = array<i32>} : memref<8x536x512xf32, #tpu.memory_space<vmem>>, vector<1x536x512xf32>,
    %slice3A_56 = vector.extract_strided_slice %dot_general3A_15 {offsets = [6, 0], sizes = [536, 512], strides = [1, 1]} : vector<544x512xf32> to vector<536x512xf32>
    %swap3A_57 = arith.constant 6 : index
    %swap3A_58 = arith.constant 0 : index
    %swap3A_59 = arith.constant 0 : index
    %swap3A_60 = vector.load %arg2[%swap3A_57, %swap3A_58, %swap3A_59] : memref<8x536x512xf32, #tpu.memory_space<vmem>>, vector<1x536x512xf32>
    %swap3A_61 = vector.shape_cast %swap3A_60 : vector<1x536x512xf32> to vector<536x512xf32>
    %swap3A_62 = vector.shape_cast %slice3A_56 : vector<536x512xf32> to vector<1x536x512xf32>
    tpu.vector_store %arg2[%swap3A_57, %swap3A_58, %swap3A_59], %swap3A_62 {strides = array<i32>} : memref<8x536x512xf32, #tpu.memory_space<vmem>>, vector<1x536x512xf32>,
    %slice3A_63 = vector.extract_strided_slice %dot_general3A_15 {offsets = [7, 0], sizes = [536, 512], strides = [1, 1]} : vector<544x512xf32> to vector<536x512xf32>
    %swap3A_64 = arith.constant 7 : index
    %swap3A_65 = arith.constant 0 : index
    %swap3A_66 = arith.constant 0 : index
    %swap3A_67 = vector.load %arg2[%swap3A_64, %swap3A_65, %swap3A_66] : memref<8x536x512xf32, #tpu.memory_space<vmem>>, vector<1x536x512xf32>
    %swap3A_68 = vector.shape_cast %swap3A_67 : vector<1x536x512xf32> to vector<536x512xf32>
    %swap3A_69 = vector.shape_cast %slice3A_63 : vector<536x512xf32> to vector<1x536x512xf32>
    tpu.vector_store %arg2[%swap3A_64, %swap3A_65, %swap3A_66], %swap3A_69 {strides = array<i32>} : memref<8x536x512xf32, #tpu.memory_space<vmem>>, vector<1x536x512xf32>,
    return
  }
}

module attributes {stable_mosaic.version = 14 : i64} {
  func.func @_head_kernel(%arg0: i32, %arg1: memref<512xi32, #tpu.memory_space<smem>>, %arg2: memref<512xi32, #tpu.memory_space<smem>>, %arg3: memref<512xi32, #tpu.memory_space<smem>>, %arg4: memref<512xi32, #tpu.memory_space<smem>>, %arg5: memref<1xi32, #tpu.memory_space<smem>>, %arg6: memref<16640x512xf32, #tpu.memory_space<any>>, %arg7: memref<8x536x512xf32, #tpu.memory_space<vmem>>, %arg8: memref<1x1x768xf32, #tpu.memory_space<vmem>>, %arg9: memref<768x512xf32, #tpu.memory_space<vmem>>, %arg10: memref<512x256xf32, #tpu.memory_space<vmem>>, %arg11: memref<256x64xf32, #tpu.memory_space<vmem>>, %arg12: memref<64x128xf32, #tpu.memory_space<vmem>>, %arg13: memref<64x128xf32, #tpu.memory_space<vmem>>, %arg14: memref<64x128xf32, #tpu.memory_space<vmem>>, %arg15: memref<128x128xf32, #tpu.memory_space<vmem>>, %arg16: memref<128x128xf32, #tpu.memory_space<vmem>>, %arg17: memref<128x128xf32, #tpu.memory_space<vmem>>, %arg18: memref<1x512xf32, #tpu.memory_space<vmem>>, %arg19: memref<1x256xf32, #tpu.memory_space<vmem>>, %arg20: memref<1x64xf32, #tpu.memory_space<vmem>>, %arg21: memref<1x128xf32, #tpu.memory_space<vmem>>, %arg22: memref<1x128xf32, #tpu.memory_space<vmem>>, %arg23: memref<512x16640x2xf32, #tpu.memory_space<any>>, %arg24: memref<512x16640x2xf32, #tpu.memory_space<any>>, %arg25: memref<2x264x512xf32, #tpu.memory_space<vmem>>, %arg26: memref<2x264x2xf32, #tpu.memory_space<vmem>>, %arg27: memref<2x!tpu.dma_semaphore, #tpu.memory_space<semaphore_mem>>, %arg28: memref<2x!tpu.dma_semaphore, #tpu.memory_space<semaphore_mem>>) attributes {dimension_semantics = [#tpu.dimension_semantics<arbitrary>], iteration_bounds = array<i64: 512>, scalar_prefetch = 5 : i64, scratch_operands = 4 : i64, tpu.core_type = #tpu.core_type<tc>, window_params = [{}, {pipeline_mode = #tpu.pipeline_mode<synchronous>, transform_indices = @transform_1, window_bounds = array<i64: 8, 536, 512>}, {transform_indices = @transform_2, window_bounds = array<i64: 1, 1, 768>}, {pipeline_mode = #tpu.pipeline_mode<synchronous>, transform_indices = @transform_3, window_bounds = array<i64: 768, 512>}, {pipeline_mode = #tpu.pipeline_mode<synchronous>, transform_indices = @transform_4, window_bounds = array<i64: 512, 256>}, {pipeline_mode = #tpu.pipeline_mode<synchronous>, transform_indices = @transform_5, window_bounds = array<i64: 256, 64>}, {pipeline_mode = #tpu.pipeline_mode<synchronous>, transform_indices = @transform_6, window_bounds = array<i64: 64, 128>}, {pipeline_mode = #tpu.pipeline_mode<synchronous>, transform_indices = @transform_7, window_bounds = array<i64: 64, 128>}, {pipeline_mode = #tpu.pipeline_mode<synchronous>, transform_indices = @transform_8, window_bounds = array<i64: 64, 128>}, {pipeline_mode = #tpu.pipeline_mode<synchronous>, transform_indices = @transform_9, window_bounds = array<i64: 128, 128>}, {pipeline_mode = #tpu.pipeline_mode<synchronous>, transform_indices = @transform_10, window_bounds = array<i64: 128, 128>}, {pipeline_mode = #tpu.pipeline_mode<synchronous>, transform_indices = @transform_11, window_bounds = array<i64: 128, 128>}, {pipeline_mode = #tpu.pipeline_mode<synchronous>, transform_indices = @transform_12, window_bounds = array<i64: 1, 512>}, {pipeline_mode = #tpu.pipeline_mode<synchronous>, transform_indices = @transform_13, window_bounds = array<i64: 1, 256>}, {pipeline_mode = #tpu.pipeline_mode<synchronous>, transform_indices = @transform_14, window_bounds = array<i64: 1, 64>}, {pipeline_mode = #tpu.pipeline_mode<synchronous>, transform_indices = @transform_15, window_bounds = array<i64: 1, 128>}, {pipeline_mode = #tpu.pipeline_mode<synchronous>, transform_indices = @transform_16, window_bounds = array<i64: 1, 128>}, {}, {}]} {
    %get3A = arith.index_cast %arg0 : i32 to index
    %get3A_0 = memref.load %arg1[%get3A] : memref<512xi32, #tpu.memory_space<smem>>
    %get3A_1 = arith.index_cast %arg0 : i32 to index
    %get3A_2 = memref.load %arg2[%get3A_1] : memref<512xi32, #tpu.memory_space<smem>>
    %get3A_3 = arith.index_cast %arg0 : i32 to index
    %get3A_4 = memref.load %arg3[%get3A_3] : memref<512xi32, #tpu.memory_space<smem>>
    %get3A_5 = arith.constant 0 : index
    %get3A_6 = memref.load %arg5[%get3A_5] : memref<1xi32, #tpu.memory_space<smem>>
    %jit3A = arith.constant 8 : i32
    %div3A = arith.divsi %get3A_0, %jit3A : i32
    %sign3A = arith.constant 0 : i32
    %sign3A_7 = arith.cmpi sgt, %get3A_0, %sign3A : i32
    %sign3A_8 = arith.extui %sign3A_7 : i1 to i32
    %sign3A_9 = arith.constant 0 : i32
    %sign3A_10 = arith.cmpi slt, %get3A_0, %sign3A_9 : i32
    %sign3A_11 = arith.extui %sign3A_10 : i1 to i32
    %sign3A_12 = arith.subi %sign3A_8, %sign3A_11 : i32
    %sign3A_13 = arith.constant 0 : i32
    %sign3A_14 = arith.cmpi sgt, %jit3A, %sign3A_13 : i32
    %sign3A_15 = arith.extui %sign3A_14 : i1 to i32
    %sign3A_16 = arith.constant 0 : i32
    %sign3A_17 = arith.cmpi slt, %jit3A, %sign3A_16 : i32
    %sign3A_18 = arith.extui %sign3A_17 : i1 to i32
    %sign3A_19 = arith.subi %sign3A_15, %sign3A_18 : i32
    %ne3A = arith.cmpi ne, %sign3A_12, %sign3A_19 : i32
    %rem3A = arith.remsi %get3A_0, %jit3A : i32
    %ne3A_20 = arith.constant 0 : i32
    %ne3A_21 = arith.cmpi ne, %rem3A, %ne3A_20 : i32
    %and3A = arith.andi %ne3A, %ne3A_21 : i1
    %sub3A = arith.constant 1 : i32
    %sub3A_22 = arith.subi %div3A, %sub3A : i32
    %select_n3A = arith.select %and3A, %sub3A_22, %div3A : i32
    %mul3A = arith.constant 8 : i32
    %mul3A_23 = arith.muli %select_n3A, %mul3A : i32
    %sub3A_24 = arith.subi %get3A_0, %mul3A_23 : i32
    %rem3A_25 = arith.constant 2 : i32
    %rem3A_26 = arith.remsi %arg0, %rem3A_25 : i32
    %sub3A_27 = arith.constant 1 : i32
    %sub3A_28 = arith.subi %sub3A_27, %rem3A_26 : i32
    %eq3A = arith.constant 0 : i32
    %eq3A_29 = arith.cmpi eq, %arg0, %eq3A : i32
    %convert_element_type3A = arith.extui %eq3A_29 : i1 to i32
    %cond3A = arith.constant 0 : i32
    %cond3A_30 = arith.cmpi ne, %convert_element_type3A, %cond3A : i32
    scf.if %cond3A_30 {
      %get3A_295 = arith.index_cast %arg0 : i32 to index
      %get3A_296 = memref.load %arg1[%get3A_295] : memref<512xi32, #tpu.memory_space<smem>>
      %jit3A_297 = arith.constant 8 : i32
      %div3A_298 = arith.divsi %get3A_296, %jit3A_297 : i32
      %sign3A_299 = arith.constant 0 : i32
      %sign3A_300 = arith.cmpi sgt, %get3A_296, %sign3A_299 : i32
      %sign3A_301 = arith.extui %sign3A_300 : i1 to i32
      %sign3A_302 = arith.constant 0 : i32
      %sign3A_303 = arith.cmpi slt, %get3A_296, %sign3A_302 : i32
      %sign3A_304 = arith.extui %sign3A_303 : i1 to i32
      %sign3A_305 = arith.subi %sign3A_301, %sign3A_304 : i32
      %sign3A_306 = arith.constant 0 : i32
      %sign3A_307 = arith.cmpi sgt, %jit3A_297, %sign3A_306 : i32
      %sign3A_308 = arith.extui %sign3A_307 : i1 to i32
      %sign3A_309 = arith.constant 0 : i32
      %sign3A_310 = arith.cmpi slt, %jit3A_297, %sign3A_309 : i32
      %sign3A_311 = arith.extui %sign3A_310 : i1 to i32
      %sign3A_312 = arith.subi %sign3A_308, %sign3A_311 : i32
      %ne3A_313 = arith.cmpi ne, %sign3A_305, %sign3A_312 : i32
      %rem3A_314 = arith.remsi %get3A_296, %jit3A_297 : i32
      %ne3A_315 = arith.constant 0 : i32
      %ne3A_316 = arith.cmpi ne, %rem3A_314, %ne3A_315 : i32
      %and3A_317 = arith.andi %ne3A_313, %ne3A_316 : i1
      %sub3A_318 = arith.constant 1 : i32
      %sub3A_319 = arith.subi %div3A_298, %sub3A_318 : i32
      %select_n3A_320 = arith.select %and3A_317, %sub3A_319, %div3A_298 : i32
      %mul3A_321 = arith.constant 8 : i32
      %mul3A_322 = arith.muli %select_n3A_320, %mul3A_321 : i32
      %dma_start3A_323 = tpu.memref_slice %arg27[%rem3A_26] : memref<2x!tpu.dma_semaphore, #tpu.memory_space<semaphore_mem>> -> memref<1x!tpu.dma_semaphore, #tpu.memory_space<semaphore_mem>>
      %dma_start3A_324 = tpu.memref_squeeze %dma_start3A_323 : memref<1x!tpu.dma_semaphore, #tpu.memory_space<semaphore_mem>> -> memref<!tpu.dma_semaphore, #tpu.memory_space<semaphore_mem>>
      %dma_start3A_325 = arith.constant 0 : i32
      %dma_start3A_326 = arith.constant 0 : i32
      %dma_start3A_327 = tpu.memref_slice %arg25[%rem3A_26, %dma_start3A_325, %dma_start3A_326] : memref<2x264x512xf32, #tpu.memory_space<vmem>> -> memref<1x264x512xf32, #tpu.memory_space<vmem>>
      %dma_start3A_328 = tpu.memref_squeeze %dma_start3A_327 : memref<1x264x512xf32, #tpu.memory_space<vmem>> -> memref<264x512xf32, #tpu.memory_space<vmem>>
      %dma_start3A_329 = arith.constant 0 : i32
      %dma_start3A_330 = tpu.memref_slice %arg6[%mul3A_322, %dma_start3A_329] : memref<16640x512xf32, #tpu.memory_space<any>> -> memref<264x512xf32, #tpu.memory_space<any>>
      tpu.enqueue_dma source(%dma_start3A_330 : memref<264x512xf32, #tpu.memory_space<any>>) target(%dma_start3A_328 : memref<264x512xf32, #tpu.memory_space<vmem>>) target_semaphore(%dma_start3A_324 : memref<!tpu.dma_semaphore, #tpu.memory_space<semaphore_mem>>)
    } else {
    }
    %add3A = arith.constant 1 : i32
    %add3A_31 = arith.addi %arg0, %add3A : i32
    %lt3A = arith.constant 512 : i32
    %lt3A_32 = arith.cmpi slt, %add3A_31, %lt3A : i32
    %convert_element_type3A_33 = arith.extui %lt3A_32 : i1 to i32
    %cond3A_34 = arith.constant 0 : i32
    %cond3A_35 = arith.cmpi ne, %convert_element_type3A_33, %cond3A_34 : i32
    scf.if %cond3A_35 {
      %add3A_295 = arith.constant 1 : i32
      %add3A_296 = arith.addi %arg0, %add3A_295 : i32
      %get3A_297 = arith.index_cast %add3A_296 : i32 to index
      %get3A_298 = memref.load %arg1[%get3A_297] : memref<512xi32, #tpu.memory_space<smem>>
      %jit3A_299 = arith.constant 8 : i32
      %div3A_300 = arith.divsi %get3A_298, %jit3A_299 : i32
      %sign3A_301 = arith.constant 0 : i32
      %sign3A_302 = arith.cmpi sgt, %get3A_298, %sign3A_301 : i32
      %sign3A_303 = arith.extui %sign3A_302 : i1 to i32
      %sign3A_304 = arith.constant 0 : i32
      %sign3A_305 = arith.cmpi slt, %get3A_298, %sign3A_304 : i32
      %sign3A_306 = arith.extui %sign3A_305 : i1 to i32
      %sign3A_307 = arith.subi %sign3A_303, %sign3A_306 : i32
      %sign3A_308 = arith.constant 0 : i32
      %sign3A_309 = arith.cmpi sgt, %jit3A_299, %sign3A_308 : i32
      %sign3A_310 = arith.extui %sign3A_309 : i1 to i32
      %sign3A_311 = arith.constant 0 : i32
      %sign3A_312 = arith.cmpi slt, %jit3A_299, %sign3A_311 : i32
      %sign3A_313 = arith.extui %sign3A_312 : i1 to i32
      %sign3A_314 = arith.subi %sign3A_310, %sign3A_313 : i32
      %ne3A_315 = arith.cmpi ne, %sign3A_307, %sign3A_314 : i32
      %rem3A_316 = arith.remsi %get3A_298, %jit3A_299 : i32
      %ne3A_317 = arith.constant 0 : i32
      %ne3A_318 = arith.cmpi ne, %rem3A_316, %ne3A_317 : i32
      %and3A_319 = arith.andi %ne3A_315, %ne3A_318 : i1
      %sub3A_320 = arith.constant 1 : i32
      %sub3A_321 = arith.subi %div3A_300, %sub3A_320 : i32
      %select_n3A_322 = arith.select %and3A_319, %sub3A_321, %div3A_300 : i32
      %mul3A_323 = arith.constant 8 : i32
      %mul3A_324 = arith.muli %select_n3A_322, %mul3A_323 : i32
      %dma_start3A_325 = tpu.memref_slice %arg27[%sub3A_28] : memref<2x!tpu.dma_semaphore, #tpu.memory_space<semaphore_mem>> -> memref<1x!tpu.dma_semaphore, #tpu.memory_space<semaphore_mem>>
      %dma_start3A_326 = tpu.memref_squeeze %dma_start3A_325 : memref<1x!tpu.dma_semaphore, #tpu.memory_space<semaphore_mem>> -> memref<!tpu.dma_semaphore, #tpu.memory_space<semaphore_mem>>
      %dma_start3A_327 = arith.constant 0 : i32
      %dma_start3A_328 = arith.constant 0 : i32
      %dma_start3A_329 = tpu.memref_slice %arg25[%sub3A_28, %dma_start3A_327, %dma_start3A_328] : memref<2x264x512xf32, #tpu.memory_space<vmem>> -> memref<1x264x512xf32, #tpu.memory_space<vmem>>
      %dma_start3A_330 = tpu.memref_squeeze %dma_start3A_329 : memref<1x264x512xf32, #tpu.memory_space<vmem>> -> memref<264x512xf32, #tpu.memory_space<vmem>>
      %dma_start3A_331 = arith.constant 0 : i32
      %dma_start3A_332 = tpu.memref_slice %arg6[%mul3A_324, %dma_start3A_331] : memref<16640x512xf32, #tpu.memory_space<any>> -> memref<264x512xf32, #tpu.memory_space<any>>
      tpu.enqueue_dma source(%dma_start3A_332 : memref<264x512xf32, #tpu.memory_space<any>>) target(%dma_start3A_330 : memref<264x512xf32, #tpu.memory_space<vmem>>) target_semaphore(%dma_start3A_326 : memref<!tpu.dma_semaphore, #tpu.memory_space<semaphore_mem>>)
    } else {
    }
    %get3A_36 = arith.index_cast %arg0 : i32 to index
    %get3A_37 = memref.load %arg1[%get3A_36] : memref<512xi32, #tpu.memory_space<smem>>
    %jit3A_38 = arith.constant 8 : i32
    %div3A_39 = arith.divsi %get3A_37, %jit3A_38 : i32
    %sign3A_40 = arith.constant 0 : i32
    %sign3A_41 = arith.cmpi sgt, %get3A_37, %sign3A_40 : i32
    %sign3A_42 = arith.extui %sign3A_41 : i1 to i32
    %sign3A_43 = arith.constant 0 : i32
    %sign3A_44 = arith.cmpi slt, %get3A_37, %sign3A_43 : i32
    %sign3A_45 = arith.extui %sign3A_44 : i1 to i32
    %sign3A_46 = arith.subi %sign3A_42, %sign3A_45 : i32
    %sign3A_47 = arith.constant 0 : i32
    %sign3A_48 = arith.cmpi sgt, %jit3A_38, %sign3A_47 : i32
    %sign3A_49 = arith.extui %sign3A_48 : i1 to i32
    %sign3A_50 = arith.constant 0 : i32
    %sign3A_51 = arith.cmpi slt, %jit3A_38, %sign3A_50 : i32
    %sign3A_52 = arith.extui %sign3A_51 : i1 to i32
    %sign3A_53 = arith.subi %sign3A_49, %sign3A_52 : i32
    %ne3A_54 = arith.cmpi ne, %sign3A_46, %sign3A_53 : i32
    %rem3A_55 = arith.remsi %get3A_37, %jit3A_38 : i32
    %ne3A_56 = arith.constant 0 : i32
    %ne3A_57 = arith.cmpi ne, %rem3A_55, %ne3A_56 : i32
    %and3A_58 = arith.andi %ne3A_54, %ne3A_57 : i1
    %sub3A_59 = arith.constant 1 : i32
    %sub3A_60 = arith.subi %div3A_39, %sub3A_59 : i32
    %select_n3A_61 = arith.select %and3A_58, %sub3A_60, %div3A_39 : i32
    %mul3A_62 = arith.constant 8 : i32
    %mul3A_63 = arith.muli %select_n3A_61, %mul3A_62 : i32
    %dma_wait3A = tpu.memref_slice %arg27[%rem3A_26] : memref<2x!tpu.dma_semaphore, #tpu.memory_space<semaphore_mem>> -> memref<1x!tpu.dma_semaphore, #tpu.memory_space<semaphore_mem>>
    %dma_wait3A_64 = tpu.memref_squeeze %dma_wait3A : memref<1x!tpu.dma_semaphore, #tpu.memory_space<semaphore_mem>> -> memref<!tpu.dma_semaphore, #tpu.memory_space<semaphore_mem>>
    %dma_wait3A_65 = arith.constant 0 : i32
    %dma_wait3A_66 = arith.constant 0 : i32
    %dma_wait3A_67 = tpu.memref_slice %arg25[%rem3A_26, %dma_wait3A_65, %dma_wait3A_66] : memref<2x264x512xf32, #tpu.memory_space<vmem>> -> memref<1x264x512xf32, #tpu.memory_space<vmem>>
    %dma_wait3A_68 = tpu.memref_squeeze %dma_wait3A_67 : memref<1x264x512xf32, #tpu.memory_space<vmem>> -> memref<264x512xf32, #tpu.memory_space<vmem>>
    %dma_wait3A_69 = arith.constant 0 : i32
    %dma_wait3A_70 = tpu.memref_slice %arg6[%mul3A_63, %dma_wait3A_69] : memref<16640x512xf32, #tpu.memory_space<any>> -> memref<264x512xf32, #tpu.memory_space<any>>
    tpu.wait_dma2 semaphore(%dma_wait3A_64 : memref<!tpu.dma_semaphore, #tpu.memory_space<semaphore_mem>>) src(%dma_wait3A_70 : memref<264x512xf32, #tpu.memory_space<any>>) dst(%dma_wait3A_68 : memref<264x512xf32, #tpu.memory_space<vmem>>)
    %sub3A_71 = arith.constant 263 : i32
    %sub3A_72 = arith.subi %sub3A_71, %get3A_4 : i32
    %sub3A_73 = arith.subi %sub3A_72, %sub3A_24 : i32
    %jit3A_74 = arith.constant 0 : i32
    %jit3A_75 = arith.constant 272 : i32
    %max3A = arith.maxsi %jit3A_74, %sub3A_73 : i32
    %min3A = arith.minsi %jit3A_75, %max3A : i32
    %jit3A_76 = arith.constant 8 : i32
    %div3A_77 = arith.divsi %min3A, %jit3A_76 : i32
    %sign3A_78 = arith.constant 0 : i32
    %sign3A_79 = arith.cmpi sgt, %min3A, %sign3A_78 : i32
    %sign3A_80 = arith.extui %sign3A_79 : i1 to i32
    %sign3A_81 = arith.constant 0 : i32
    %sign3A_82 = arith.cmpi slt, %min3A, %sign3A_81 : i32
    %sign3A_83 = arith.extui %sign3A_82 : i1 to i32
    %sign3A_84 = arith.subi %sign3A_80, %sign3A_83 : i32
    %sign3A_85 = arith.constant 0 : i32
    %sign3A_86 = arith.cmpi sgt, %jit3A_76, %sign3A_85 : i32
    %sign3A_87 = arith.extui %sign3A_86 : i1 to i32
    %sign3A_88 = arith.constant 0 : i32
    %sign3A_89 = arith.cmpi slt, %jit3A_76, %sign3A_88 : i32
    %sign3A_90 = arith.extui %sign3A_89 : i1 to i32
    %sign3A_91 = arith.subi %sign3A_87, %sign3A_90 : i32
    %ne3A_92 = arith.cmpi ne, %sign3A_84, %sign3A_91 : i32
    %rem3A_93 = arith.remsi %min3A, %jit3A_76 : i32
    %ne3A_94 = arith.constant 0 : i32
    %ne3A_95 = arith.cmpi ne, %rem3A_93, %ne3A_94 : i32
    %and3A_96 = arith.andi %ne3A_92, %ne3A_95 : i1
    %sub3A_97 = arith.constant 1 : i32
    %sub3A_98 = arith.subi %div3A_77, %sub3A_97 : i32
    %select_n3A_99 = arith.select %and3A_96, %sub3A_98, %div3A_77 : i32
    %mul3A_100 = arith.constant 8 : i32
    %mul3A_101 = arith.muli %select_n3A_99, %mul3A_100 : i32
    %sub3A_102 = arith.subi %min3A, %mul3A_101 : i32
    %get3A_103 = arith.index_cast %sub3A_102 : i32 to index
    %get3A_104 = arith.index_cast %mul3A_101 : i32 to index
    %get3A_105 = arith.constant 0 : index
    %get3A_106 = vector.load %arg7[%get3A_103, %get3A_104, %get3A_105] : memref<8x536x512xf32, #tpu.memory_space<vmem>>, vector<1x264x512xf32>
    %get3A_107 = vector.shape_cast %get3A_106 : vector<1x264x512xf32> to vector<264x512xf32>
    %get3A_108 = arith.constant 0 : index
    %get3A_109 = arith.constant 0 : index
    %get3A_110 = arith.constant 0 : index
    %get3A_111 = vector.load %arg8[%get3A_108, %get3A_109, %get3A_110] : memref<1x1x768xf32, #tpu.memory_space<vmem>>, vector<1x1x768xf32>
    %get3A_112 = vector.shape_cast %get3A_111 : vector<1x1x768xf32> to vector<1x768xf32>
    %get3A_113 = arith.constant 0 : index
    %get3A_114 = arith.constant 0 : index
    %get3A_115 = vector.load %arg9[%get3A_113, %get3A_114] : memref<768x512xf32, #tpu.memory_space<vmem>>, vector<768x512xf32>
    %dot_general3A = arith.constant dense<0.000000e+00> : vector<1x512xf32>
    %dot_general3A_116 = tpu.matmul %get3A_112, %get3A_115, %dot_general3A {dimension_numbers = #tpu.dot_dimension_numbers<[1], [0], [0], [1], [0, 0, 1, 1], [], []>, transpose_lhs_hint = false} : vector<1x768xf32>, vector<768x512xf32>, vector<1x512xf32> -> vector<1x512xf32>
    %iota3A = tpu.iota {dimensions = array<i32: 0>} : vector<264x1xi32>
    %sub3A_117 = vector.broadcast %sub3A_24 : i32 to vector<264x1xi32>
    %sub3A_118 = arith.subi %iota3A, %sub3A_117 : vector<264x1xi32>
    %get3A_119 = arith.constant 0 : index
    %get3A_120 = arith.constant 0 : index
    %get3A_121 = vector.load %arg18[%get3A_119, %get3A_120] : memref<1x512xf32, #tpu.memory_space<vmem>>, vector<1x512xf32>
    %get3A_122 = arith.index_cast %rem3A_26 : i32 to index
    %get3A_123 = arith.constant 0 : index
    %get3A_124 = arith.constant 0 : index
    %get3A_125 = vector.load %arg25[%get3A_122, %get3A_123, %get3A_124] : memref<2x264x512xf32, #tpu.memory_space<vmem>>, vector<1x264x512xf32>
    %get3A_126 = vector.shape_cast %get3A_125 : vector<1x264x512xf32> to vector<264x512xf32>
    %add3A_127 = arith.addf %get3A_126, %get3A_107 : vector<264x512xf32>
    %add3A_128 = vector.broadcast %dot_general3A_116 : vector<1x512xf32> to vector<264x512xf32>
    %add3A_129 = arith.addf %add3A_127, %add3A_128 : vector<264x512xf32>
    %add3A_130 = vector.broadcast %get3A_121 : vector<1x512xf32> to vector<264x512xf32>
    %add3A_131 = arith.addf %add3A_129, %add3A_130 : vector<264x512xf32>
    %ge3A = arith.constant 0 : i32
    %ge3A_132 = vector.broadcast %ge3A : i32 to vector<264x1xi32>
    %ge3A_133 = arith.cmpi sge, %sub3A_118, %ge3A_132 : vector<264x1xi32>
    %lt3A_134 = vector.broadcast %get3A_2 : i32 to vector<264x1xi32>
    %lt3A_135 = arith.cmpi slt, %sub3A_118, %lt3A_134 : vector<264x1xi32>
    %and3A_136 = arith.andi %ge3A_133, %lt3A_135 : vector<264x1xi1>
    %max3A_137 = arith.constant 0.000000e+00 : f32
    %max3A_138 = vector.broadcast %max3A_137 : f32 to vector<264x512xf32>
    %max3A_139 = arith.maximumf %add3A_131, %max3A_138 : vector<264x512xf32>
    %max3A_140 = arith.constant 0.000000e+00 : f32
    %max3A_141 = vector.broadcast %max3A_140 : f32 to vector<1x512xf32>
    %max3A_142 = arith.maximumf %get3A_121, %max3A_141 : vector<1x512xf32>
    %broadcast_in_dim3A = vector.shape_cast %and3A_136 : vector<264x1xi1> to vector<264x1xi1>
    %broadcast_in_dim3A_143 = vector.broadcast %broadcast_in_dim3A : vector<264x1xi1> to vector<264x512xi1>
    %broadcast_in_dim3A_144 = vector.shape_cast %max3A_142 : vector<1x512xf32> to vector<1x512xf32>
    %broadcast_in_dim3A_145 = vector.broadcast %broadcast_in_dim3A_144 : vector<1x512xf32> to vector<264x512xf32>
    %select_n3A_146 = arith.select %broadcast_in_dim3A_143, %max3A_139, %broadcast_in_dim3A_145 : vector<264x512xi1>, vector<264x512xf32>
    %get3A_147 = arith.constant 0 : index
    %get3A_148 = arith.constant 0 : index
    %get3A_149 = vector.load %arg10[%get3A_147, %get3A_148] : memref<512x256xf32, #tpu.memory_space<vmem>>, vector<512x256xf32>
    %dot_general3A_150 = arith.constant dense<0.000000e+00> : vector<264x256xf32>
    %dot_general3A_151 = tpu.matmul %select_n3A_146, %get3A_149, %dot_general3A_150 {dimension_numbers = #tpu.dot_dimension_numbers<[1], [0], [0], [1], [0, 0, 1, 1], [], []>, transpose_lhs_hint = false} : vector<264x512xf32>, vector<512x256xf32>, vector<264x256xf32> -> vector<264x256xf32>
    %get3A_152 = arith.constant 0 : index
    %get3A_153 = arith.constant 0 : index
    %get3A_154 = vector.load %arg19[%get3A_152, %get3A_153] : memref<1x256xf32, #tpu.memory_space<vmem>>, vector<1x256xf32>
    %add3A_155 = vector.broadcast %get3A_154 : vector<1x256xf32> to vector<264x256xf32>
    %add3A_156 = arith.addf %dot_general3A_151, %add3A_155 : vector<264x256xf32>
    %max3A_157 = arith.constant 0.000000e+00 : f32
    %max3A_158 = vector.broadcast %max3A_157 : f32 to vector<264x256xf32>
    %max3A_159 = arith.maximumf %add3A_156, %max3A_158 : vector<264x256xf32>
    %get3A_160 = arith.constant 0 : index
    %get3A_161 = arith.constant 0 : index
    %get3A_162 = vector.load %arg11[%get3A_160, %get3A_161] : memref<256x64xf32, #tpu.memory_space<vmem>>, vector<256x64xf32>
    %dot_general3A_163 = arith.constant dense<0.000000e+00> : vector<264x64xf32>
    %dot_general3A_164 = tpu.matmul %max3A_159, %get3A_162, %dot_general3A_163 {dimension_numbers = #tpu.dot_dimension_numbers<[1], [0], [0], [1], [0, 0, 1, 1], [], []>, transpose_lhs_hint = false} : vector<264x256xf32>, vector<256x64xf32>, vector<264x64xf32> -> vector<264x64xf32>
    %get3A_165 = arith.constant 0 : index
    %get3A_166 = arith.constant 0 : index
    %get3A_167 = vector.load %arg20[%get3A_165, %get3A_166] : memref<1x64xf32, #tpu.memory_space<vmem>>, vector<1x64xf32>
    %add3A_168 = vector.broadcast %get3A_167 : vector<1x64xf32> to vector<264x64xf32>
    %add3A_169 = arith.addf %dot_general3A_164, %add3A_168 : vector<264x64xf32>
    %ge3A_170 = arith.constant 0 : i32
    %ge3A_171 = vector.broadcast %ge3A_170 : i32 to vector<264x1xi32>
    %ge3A_172 = arith.cmpi sge, %sub3A_118, %ge3A_171 : vector<264x1xi32>
    %lt3A_173 = vector.broadcast %get3A_6 : i32 to vector<264x1xi32>
    %lt3A_174 = arith.cmpi slt, %sub3A_118, %lt3A_173 : vector<264x1xi32>
    %and3A_175 = arith.andi %ge3A_172, %lt3A_174 : vector<264x1xi1>
    %jit3A_176 = arith.constant 0.000000e+00 : f32
    %broadcast_in_dim3A_177 = vector.shape_cast %and3A_175 : vector<264x1xi1> to vector<264x1xi1>
    %broadcast_in_dim3A_178 = vector.broadcast %broadcast_in_dim3A_177 : vector<264x1xi1> to vector<264x64xi1>
    %broadcast_in_dim3A_179 = vector.broadcast %jit3A_176 : f32 to vector<264x64xf32>
    %select_n3A_180 = arith.select %broadcast_in_dim3A_178, %add3A_169, %broadcast_in_dim3A_179 : vector<264x64xi1>, vector<264x64xf32>
    %broadcast_in_dim3A_181 = arith.constant 0.000000e+00 : f32
    %broadcast_in_dim3A_182 = vector.broadcast %broadcast_in_dim3A_181 : f32 to vector<1x64xf32>
    %slice3A = vector.extract_strided_slice %select_n3A_180 {offsets = [0, 0], sizes = [263, 64], strides = [1, 1]} : vector<264x64xf32> to vector<263x64xf32>
    %concatenate3A = tpu.concatenate %broadcast_in_dim3A_182, %slice3A in 0 : vector<1x64xf32>, vector<263x64xf32> -> vector<264x64xf32>
    %get3A_183 = arith.constant 0 : index
    %get3A_184 = arith.constant 0 : index
    %get3A_185 = vector.load %arg12[%get3A_183, %get3A_184] : memref<64x128xf32, #tpu.memory_space<vmem>>, vector<64x128xf32>
    %dot_general3A_186 = arith.constant dense<0.000000e+00> : vector<264x128xf32>
    %dot_general3A_187 = tpu.matmul %concatenate3A, %get3A_185, %dot_general3A_186 {dimension_numbers = #tpu.dot_dimension_numbers<[1], [0], [0], [1], [0, 0, 1, 1], [], []>, transpose_lhs_hint = false} : vector<264x64xf32>, vector<64x128xf32>, vector<264x128xf32> -> vector<264x128xf32>
    %get3A_188 = arith.constant 0 : index
    %get3A_189 = arith.constant 0 : index
    %get3A_190 = vector.load %arg13[%get3A_188, %get3A_189] : memref<64x128xf32, #tpu.memory_space<vmem>>, vector<64x128xf32>
    %dot_general3A_191 = arith.constant dense<0.000000e+00> : vector<264x128xf32>
    %dot_general3A_192 = tpu.matmul %select_n3A_180, %get3A_190, %dot_general3A_191 {dimension_numbers = #tpu.dot_dimension_numbers<[1], [0], [0], [1], [0, 0, 1, 1], [], []>, transpose_lhs_hint = false} : vector<264x64xf32>, vector<64x128xf32>, vector<264x128xf32> -> vector<264x128xf32>
    %add3A_193 = arith.addf %dot_general3A_187, %dot_general3A_192 : vector<264x128xf32>
    %broadcast_in_dim3A_194 = arith.constant 0.000000e+00 : f32
    %broadcast_in_dim3A_195 = vector.broadcast %broadcast_in_dim3A_194 : f32 to vector<1x64xf32>
    %slice3A_196 = vector.extract_strided_slice %select_n3A_180 {offsets = [1, 0], sizes = [263, 64], strides = [1, 1]} : vector<264x64xf32> to vector<263x64xf32>
    %concatenate3A_197 = tpu.concatenate %slice3A_196, %broadcast_in_dim3A_195 in 0 : vector<263x64xf32>, vector<1x64xf32> -> vector<264x64xf32>
    %get3A_198 = arith.constant 0 : index
    %get3A_199 = arith.constant 0 : index
    %get3A_200 = vector.load %arg14[%get3A_198, %get3A_199] : memref<64x128xf32, #tpu.memory_space<vmem>>, vector<64x128xf32>
    %dot_general3A_201 = arith.constant dense<0.000000e+00> : vector<264x128xf32>
    %dot_general3A_202 = tpu.matmul %concatenate3A_197, %get3A_200, %dot_general3A_201 {dimension_numbers = #tpu.dot_dimension_numbers<[1], [0], [0], [1], [0, 0, 1, 1], [], []>, transpose_lhs_hint = false} : vector<264x64xf32>, vector<64x128xf32>, vector<264x128xf32> -> vector<264x128xf32>
    %add3A_203 = arith.addf %add3A_193, %dot_general3A_202 : vector<264x128xf32>
    %get3A_204 = arith.constant 0 : index
    %get3A_205 = arith.constant 0 : index
    %get3A_206 = vector.load %arg21[%get3A_204, %get3A_205] : memref<1x128xf32, #tpu.memory_space<vmem>>, vector<1x128xf32>
    %add3A_207 = vector.broadcast %get3A_206 : vector<1x128xf32> to vector<264x128xf32>
    %add3A_208 = arith.addf %add3A_203, %add3A_207 : vector<264x128xf32>
    %ge3A_209 = arith.constant 0 : i32
    %ge3A_210 = vector.broadcast %ge3A_209 : i32 to vector<264x1xi32>
    %ge3A_211 = arith.cmpi sge, %sub3A_118, %ge3A_210 : vector<264x1xi32>
    %lt3A_212 = vector.broadcast %get3A_6 : i32 to vector<264x1xi32>
    %lt3A_213 = arith.cmpi slt, %sub3A_118, %lt3A_212 : vector<264x1xi32>
    %and3A_214 = arith.andi %ge3A_211, %lt3A_213 : vector<264x1xi1>
    %jit3A_215 = arith.constant 0.000000e+00 : f32
    %broadcast_in_dim3A_216 = vector.shape_cast %and3A_214 : vector<264x1xi1> to vector<264x1xi1>
    %broadcast_in_dim3A_217 = vector.broadcast %broadcast_in_dim3A_216 : vector<264x1xi1> to vector<264x128xi1>
    %broadcast_in_dim3A_218 = vector.broadcast %jit3A_215 : f32 to vector<264x128xf32>
    %select_n3A_219 = arith.select %broadcast_in_dim3A_217, %add3A_208, %broadcast_in_dim3A_218 : vector<264x128xi1>, vector<264x128xf32>
    %broadcast_in_dim3A_220 = arith.constant 0.000000e+00 : f32
    %broadcast_in_dim3A_221 = vector.broadcast %broadcast_in_dim3A_220 : f32 to vector<1x128xf32>
    %slice3A_222 = vector.extract_strided_slice %select_n3A_219 {offsets = [0, 0], sizes = [263, 128], strides = [1, 1]} : vector<264x128xf32> to vector<263x128xf32>
    %concatenate3A_223 = tpu.concatenate %broadcast_in_dim3A_221, %slice3A_222 in 0 : vector<1x128xf32>, vector<263x128xf32> -> vector<264x128xf32>
    %get3A_224 = arith.constant 0 : index
    %get3A_225 = arith.constant 0 : index
    %get3A_226 = vector.load %arg15[%get3A_224, %get3A_225] : memref<128x128xf32, #tpu.memory_space<vmem>>, vector<128x128xf32>
    %dot_general3A_227 = arith.constant dense<0.000000e+00> : vector<264x128xf32>
    %dot_general3A_228 = tpu.matmul %concatenate3A_223, %get3A_226, %dot_general3A_227 {dimension_numbers = #tpu.dot_dimension_numbers<[1], [0], [0], [1], [0, 0, 1, 1], [], []>, transpose_lhs_hint = false} : vector<264x128xf32>, vector<128x128xf32>, vector<264x128xf32> -> vector<264x128xf32>
    %get3A_229 = arith.constant 0 : index
    %get3A_230 = arith.constant 0 : index
    %get3A_231 = vector.load %arg16[%get3A_229, %get3A_230] : memref<128x128xf32, #tpu.memory_space<vmem>>, vector<128x128xf32>
    %dot_general3A_232 = arith.constant dense<0.000000e+00> : vector<264x128xf32>
    %dot_general3A_233 = tpu.matmul %select_n3A_219, %get3A_231, %dot_general3A_232 {dimension_numbers = #tpu.dot_dimension_numbers<[1], [0], [0], [1], [0, 0, 1, 1], [], []>, transpose_lhs_hint = false} : vector<264x128xf32>, vector<128x128xf32>, vector<264x128xf32> -> vector<264x128xf32>
    %add3A_234 = arith.addf %dot_general3A_228, %dot_general3A_233 : vector<264x128xf32>
    %broadcast_in_dim3A_235 = arith.constant 0.000000e+00 : f32
    %broadcast_in_dim3A_236 = vector.broadcast %broadcast_in_dim3A_235 : f32 to vector<1x128xf32>
    %slice3A_237 = vector.extract_strided_slice %select_n3A_219 {offsets = [1, 0], sizes = [263, 128], strides = [1, 1]} : vector<264x128xf32> to vector<263x128xf32>
    %concatenate3A_238 = tpu.concatenate %slice3A_237, %broadcast_in_dim3A_236 in 0 : vector<263x128xf32>, vector<1x128xf32> -> vector<264x128xf32>
    %get3A_239 = arith.constant 0 : index
    %get3A_240 = arith.constant 0 : index
    %get3A_241 = vector.load %arg17[%get3A_239, %get3A_240] : memref<128x128xf32, #tpu.memory_space<vmem>>, vector<128x128xf32>
    %dot_general3A_242 = arith.constant dense<0.000000e+00> : vector<264x128xf32>
    %dot_general3A_243 = tpu.matmul %concatenate3A_238, %get3A_241, %dot_general3A_242 {dimension_numbers = #tpu.dot_dimension_numbers<[1], [0], [0], [1], [0, 0, 1, 1], [], []>, transpose_lhs_hint = false} : vector<264x128xf32>, vector<128x128xf32>, vector<264x128xf32> -> vector<264x128xf32>
    %add3A_244 = arith.addf %add3A_234, %dot_general3A_243 : vector<264x128xf32>
    %get3A_245 = arith.constant 0 : index
    %get3A_246 = arith.constant 0 : index
    %get3A_247 = vector.load %arg22[%get3A_245, %get3A_246] : memref<1x128xf32, #tpu.memory_space<vmem>>, vector<1x128xf32>
    %add3A_248 = vector.broadcast %get3A_247 : vector<1x128xf32> to vector<264x128xf32>
    %add3A_249 = arith.addf %add3A_244, %add3A_248 : vector<264x128xf32>
    %slice3A_250 = vector.extract_strided_slice %add3A_249 {offsets = [0, 0], sizes = [264, 1], strides = [1, 1]} : vector<264x128xf32> to vector<264x1xf32>
    %slice3A_251 = vector.extract_strided_slice %add3A_249 {offsets = [0, 1], sizes = [264, 1], strides = [1, 1]} : vector<264x128xf32> to vector<264x1xf32>
    %ge3A_252 = arith.constant 0 : i32
    %ge3A_253 = vector.broadcast %ge3A_252 : i32 to vector<264x1xi32>
    %ge3A_254 = arith.cmpi sge, %sub3A_118, %ge3A_253 : vector<264x1xi32>
    %lt3A_255 = vector.broadcast %get3A_2 : i32 to vector<264x1xi32>
    %lt3A_256 = arith.cmpi slt, %sub3A_118, %lt3A_255 : vector<264x1xi32>
    %and3A_257 = arith.andi %ge3A_254, %lt3A_256 : vector<264x1xi1>
    %le3A = vector.broadcast %get3A_4 : i32 to vector<264x1xi32>
    %le3A_258 = arith.cmpi sle, %sub3A_118, %le3A : vector<264x1xi32>
    %and3A_259 = arith.andi %and3A_257, %le3A_258 : vector<264x1xi1>
    %jit3A_260 = arith.constant 0xFF800000 : f32
    %broadcast_in_dim3A_261 = vector.broadcast %jit3A_260 : f32 to vector<264x1xf32>
    %select_n3A_262 = arith.select %and3A_259, %slice3A_250, %broadcast_in_dim3A_261 : vector<264x1xi1>, vector<264x1xf32>
    %lt3A_263 = vector.broadcast %get3A_2 : i32 to vector<264x1xi32>
    %lt3A_264 = arith.cmpi slt, %sub3A_118, %lt3A_263 : vector<264x1xi32>
    %ge3A_265 = vector.broadcast %get3A_4 : i32 to vector<264x1xi32>
    %ge3A_266 = arith.cmpi sge, %sub3A_118, %ge3A_265 : vector<264x1xi32>
    %and3A_267 = arith.andi %lt3A_264, %ge3A_266 : vector<264x1xi1>
    %jit3A_268 = arith.constant 0xFF800000 : f32
    %broadcast_in_dim3A_269 = vector.broadcast %jit3A_268 : f32 to vector<264x1xf32>
    %select_n3A_270 = arith.select %and3A_267, %slice3A_251, %broadcast_in_dim3A_269 : vector<264x1xi1>, vector<264x1xf32>
    %ge3A_271 = arith.constant 2 : i32
    %ge3A_272 = arith.cmpi sge, %arg0, %ge3A_271 : i32
    %convert_element_type3A_273 = arith.extui %ge3A_272 : i1 to i32
    %cond3A_274 = arith.constant 0 : i32
    %cond3A_275 = arith.cmpi ne, %convert_element_type3A_273, %cond3A_274 : i32
    scf.if %cond3A_275 {
      %dma_wait3A_295 = arith.constant 0 : i32
      %dma_wait3A_296 = tpu.memref_slice %arg28[%rem3A_26] : memref<2x!tpu.dma_semaphore, #tpu.memory_space<semaphore_mem>> -> memref<1x!tpu.dma_semaphore, #tpu.memory_space<semaphore_mem>>
      %dma_wait3A_297 = tpu.memref_squeeze %dma_wait3A_296 : memref<1x!tpu.dma_semaphore, #tpu.memory_space<semaphore_mem>> -> memref<!tpu.dma_semaphore, #tpu.memory_space<semaphore_mem>>
      %dma_wait3A_298 = arith.constant 0 : i32
      %dma_wait3A_299 = tpu.memref_slice %arg24[%dma_wait3A_295, %mul3A_23, %dma_wait3A_298] : memref<512x16640x2xf32, #tpu.memory_space<any>> -> memref<1x264x2xf32, #tpu.memory_space<any>>
      %dma_wait3A_300 = tpu.memref_squeeze %dma_wait3A_299 : memref<1x264x2xf32, #tpu.memory_space<any>> -> memref<264x2xf32, #tpu.memory_space<any>>
      %dma_wait3A_301 = arith.constant 0 : i32
      %dma_wait3A_302 = arith.constant 0 : i32
      %dma_wait3A_303 = tpu.memref_slice %arg26[%rem3A_26, %dma_wait3A_301, %dma_wait3A_302] : memref<2x264x2xf32, #tpu.memory_space<vmem>> -> memref<1x264x2xf32, #tpu.memory_space<vmem>>
      %dma_wait3A_304 = tpu.memref_squeeze %dma_wait3A_303 : memref<1x264x2xf32, #tpu.memory_space<vmem>> -> memref<264x2xf32, #tpu.memory_space<vmem>>
      tpu.wait_dma2 semaphore(%dma_wait3A_297 : memref<!tpu.dma_semaphore, #tpu.memory_space<semaphore_mem>>) src(%dma_wait3A_304 : memref<264x2xf32, #tpu.memory_space<vmem>>) dst(%dma_wait3A_300 : memref<264x2xf32, #tpu.memory_space<any>>)
    } else {
    }
    %concatenate3A_276 = tpu.concatenate %select_n3A_262, %select_n3A_270 in 1 : vector<264x1xf32>, vector<264x1xf32> -> vector<264x2xf32>
    %swap3A = arith.index_cast %rem3A_26 : i32 to index
    %swap3A_277 = arith.constant 0 : index
    %swap3A_278 = arith.constant 0 : index
    %swap3A_279 = vector.load %arg26[%swap3A, %swap3A_277, %swap3A_278] : memref<2x264x2xf32, #tpu.memory_space<vmem>>, vector<1x264x2xf32>
    %swap3A_280 = vector.shape_cast %swap3A_279 : vector<1x264x2xf32> to vector<264x2xf32>
    %swap3A_281 = vector.shape_cast %concatenate3A_276 : vector<264x2xf32> to vector<1x264x2xf32>
    tpu.vector_store %arg26[%swap3A, %swap3A_277, %swap3A_278], %swap3A_281 {strides = array<i32>} : memref<2x264x2xf32, #tpu.memory_space<vmem>>, vector<1x264x2xf32>,
    %dma_start3A = tpu.memref_slice %arg28[%rem3A_26] : memref<2x!tpu.dma_semaphore, #tpu.memory_space<semaphore_mem>> -> memref<1x!tpu.dma_semaphore, #tpu.memory_space<semaphore_mem>>
    %dma_start3A_282 = tpu.memref_squeeze %dma_start3A : memref<1x!tpu.dma_semaphore, #tpu.memory_space<semaphore_mem>> -> memref<!tpu.dma_semaphore, #tpu.memory_space<semaphore_mem>>
    %dma_start3A_283 = arith.constant 0 : i32
    %dma_start3A_284 = tpu.memref_slice %arg24[%arg0, %mul3A_23, %dma_start3A_283] : memref<512x16640x2xf32, #tpu.memory_space<any>> -> memref<1x264x2xf32, #tpu.memory_space<any>>
    %dma_start3A_285 = tpu.memref_squeeze %dma_start3A_284 : memref<1x264x2xf32, #tpu.memory_space<any>> -> memref<264x2xf32, #tpu.memory_space<any>>
    %dma_start3A_286 = arith.constant 0 : i32
    %dma_start3A_287 = arith.constant 0 : i32
    %dma_start3A_288 = tpu.memref_slice %arg26[%rem3A_26, %dma_start3A_286, %dma_start3A_287] : memref<2x264x2xf32, #tpu.memory_space<vmem>> -> memref<1x264x2xf32, #tpu.memory_space<vmem>>
    %dma_start3A_289 = tpu.memref_squeeze %dma_start3A_288 : memref<1x264x2xf32, #tpu.memory_space<vmem>> -> memref<264x2xf32, #tpu.memory_space<vmem>>
    tpu.enqueue_dma source(%dma_start3A_289 : memref<264x2xf32, #tpu.memory_space<vmem>>) target(%dma_start3A_285 : memref<264x2xf32, #tpu.memory_space<any>>) target_semaphore(%dma_start3A_282 : memref<!tpu.dma_semaphore, #tpu.memory_space<semaphore_mem>>)
    %eq3A_290 = arith.constant 511 : i32
    %eq3A_291 = arith.cmpi eq, %arg0, %eq3A_290 : i32
    %convert_element_type3A_292 = arith.extui %eq3A_291 : i1 to i32
    %cond3A_293 = arith.constant 0 : i32
    %cond3A_294 = arith.cmpi ne, %convert_element_type3A_292, %cond3A_293 : i32
    scf.if %cond3A_294 {
      %dma_wait3A_295 = arith.constant 0 : i32
      %dma_wait3A_296 = tpu.memref_slice %arg28[%rem3A_26] : memref<2x!tpu.dma_semaphore, #tpu.memory_space<semaphore_mem>> -> memref<1x!tpu.dma_semaphore, #tpu.memory_space<semaphore_mem>>
      %dma_wait3A_297 = tpu.memref_squeeze %dma_wait3A_296 : memref<1x!tpu.dma_semaphore, #tpu.memory_space<semaphore_mem>> -> memref<!tpu.dma_semaphore, #tpu.memory_space<semaphore_mem>>
      %dma_wait3A_298 = arith.constant 0 : i32
      %dma_wait3A_299 = tpu.memref_slice %arg24[%dma_wait3A_295, %mul3A_23, %dma_wait3A_298] : memref<512x16640x2xf32, #tpu.memory_space<any>> -> memref<1x264x2xf32, #tpu.memory_space<any>>
      %dma_wait3A_300 = tpu.memref_squeeze %dma_wait3A_299 : memref<1x264x2xf32, #tpu.memory_space<any>> -> memref<264x2xf32, #tpu.memory_space<any>>
      %dma_wait3A_301 = arith.constant 0 : i32
      %dma_wait3A_302 = arith.constant 0 : i32
      %dma_wait3A_303 = tpu.memref_slice %arg26[%rem3A_26, %dma_wait3A_301, %dma_wait3A_302] : memref<2x264x2xf32, #tpu.memory_space<vmem>> -> memref<1x264x2xf32, #tpu.memory_space<vmem>>
      %dma_wait3A_304 = tpu.memref_squeeze %dma_wait3A_303 : memref<1x264x2xf32, #tpu.memory_space<vmem>> -> memref<264x2xf32, #tpu.memory_space<vmem>>
      tpu.wait_dma2 semaphore(%dma_wait3A_297 : memref<!tpu.dma_semaphore, #tpu.memory_space<semaphore_mem>>) src(%dma_wait3A_304 : memref<264x2xf32, #tpu.memory_space<vmem>>) dst(%dma_wait3A_300 : memref<264x2xf32, #tpu.memory_space<any>>)
      %dma_wait3A_305 = arith.constant 0 : i32
      %dma_wait3A_306 = tpu.memref_slice %arg28[%sub3A_28] : memref<2x!tpu.dma_semaphore, #tpu.memory_space<semaphore_mem>> -> memref<1x!tpu.dma_semaphore, #tpu.memory_space<semaphore_mem>>
      %dma_wait3A_307 = tpu.memref_squeeze %dma_wait3A_306 : memref<1x!tpu.dma_semaphore, #tpu.memory_space<semaphore_mem>> -> memref<!tpu.dma_semaphore, #tpu.memory_space<semaphore_mem>>
      %dma_wait3A_308 = arith.constant 0 : i32
      %dma_wait3A_309 = tpu.memref_slice %arg24[%dma_wait3A_305, %mul3A_23, %dma_wait3A_308] : memref<512x16640x2xf32, #tpu.memory_space<any>> -> memref<1x264x2xf32, #tpu.memory_space<any>>
      %dma_wait3A_310 = tpu.memref_squeeze %dma_wait3A_309 : memref<1x264x2xf32, #tpu.memory_space<any>> -> memref<264x2xf32, #tpu.memory_space<any>>
      %dma_wait3A_311 = arith.constant 0 : i32
      %dma_wait3A_312 = arith.constant 0 : i32
      %dma_wait3A_313 = tpu.memref_slice %arg26[%sub3A_28, %dma_wait3A_311, %dma_wait3A_312] : memref<2x264x2xf32, #tpu.memory_space<vmem>> -> memref<1x264x2xf32, #tpu.memory_space<vmem>>
      %dma_wait3A_314 = tpu.memref_squeeze %dma_wait3A_313 : memref<1x264x2xf32, #tpu.memory_space<vmem>> -> memref<264x2xf32, #tpu.memory_space<vmem>>
      tpu.wait_dma2 semaphore(%dma_wait3A_307 : memref<!tpu.dma_semaphore, #tpu.memory_space<semaphore_mem>>) src(%dma_wait3A_314 : memref<264x2xf32, #tpu.memory_space<vmem>>) dst(%dma_wait3A_310 : memref<264x2xf32, #tpu.memory_space<any>>)
    } else {
    }
    return
  }
  func.func @transform_1(%arg0: i32, %arg1: memref<512xi32, #tpu.memory_space<smem>>, %arg2: memref<512xi32, #tpu.memory_space<smem>>, %arg3: memref<512xi32, #tpu.memory_space<smem>>, %arg4: memref<512xi32, #tpu.memory_space<smem>>, %arg5: memref<1xi32, #tpu.memory_space<smem>>) -> (i32, i32, i32) {
    %c0_i32 = arith.constant 0 : i32
    %c0_i32_0 = arith.constant 0 : i32
    %c0_i32_1 = arith.constant 0 : i32
    %c0_i32_2 = arith.constant 0 : i32
    return %c0_i32, %c0_i32_0, %c0_i32_1 : i32, i32, i32
  }
  func.func @transform_2(%arg0: i32, %arg1: memref<512xi32, #tpu.memory_space<smem>>, %arg2: memref<512xi32, #tpu.memory_space<smem>>, %arg3: memref<512xi32, #tpu.memory_space<smem>>, %arg4: memref<512xi32, #tpu.memory_space<smem>>, %arg5: memref<1xi32, #tpu.memory_space<smem>>) -> (i32, i32, i32) {
    %get3A = arith.index_cast %arg0 : i32 to index
    %get3A_0 = memref.load %arg4[%get3A] : memref<512xi32, #tpu.memory_space<smem>>
    %c0_i32 = arith.constant 0 : i32
    %c0_i32_1 = arith.constant 0 : i32
    %c0_i32_2 = arith.constant 0 : i32
    return %get3A_0, %c0_i32, %c0_i32_1 : i32, i32, i32
  }
  func.func @transform_3(%arg0: i32, %arg1: memref<512xi32, #tpu.memory_space<smem>>, %arg2: memref<512xi32, #tpu.memory_space<smem>>, %arg3: memref<512xi32, #tpu.memory_space<smem>>, %arg4: memref<512xi32, #tpu.memory_space<smem>>, %arg5: memref<1xi32, #tpu.memory_space<smem>>) -> (i32, i32) {
    %c0_i32 = arith.constant 0 : i32
    %c0_i32_0 = arith.constant 0 : i32
    %c0_i32_1 = arith.constant 0 : i32
    return %c0_i32, %c0_i32_0 : i32, i32
  }
  func.func @transform_4(%arg0: i32, %arg1: memref<512xi32, #tpu.memory_space<smem>>, %arg2: memref<512xi32, #tpu.memory_space<smem>>, %arg3: memref<512xi32, #tpu.memory_space<smem>>, %arg4: memref<512xi32, #tpu.memory_space<smem>>, %arg5: memref<1xi32, #tpu.memory_space<smem>>) -> (i32, i32) {
    %c0_i32 = arith.constant 0 : i32
    %c0_i32_0 = arith.constant 0 : i32
    %c0_i32_1 = arith.constant 0 : i32
    return %c0_i32, %c0_i32_0 : i32, i32
  }
  func.func @transform_5(%arg0: i32, %arg1: memref<512xi32, #tpu.memory_space<smem>>, %arg2: memref<512xi32, #tpu.memory_space<smem>>, %arg3: memref<512xi32, #tpu.memory_space<smem>>, %arg4: memref<512xi32, #tpu.memory_space<smem>>, %arg5: memref<1xi32, #tpu.memory_space<smem>>) -> (i32, i32) {
    %c0_i32 = arith.constant 0 : i32
    %c0_i32_0 = arith.constant 0 : i32
    %c0_i32_1 = arith.constant 0 : i32
    return %c0_i32, %c0_i32_0 : i32, i32
  }
  func.func @transform_6(%arg0: i32, %arg1: memref<512xi32, #tpu.memory_space<smem>>, %arg2: memref<512xi32, #tpu.memory_space<smem>>, %arg3: memref<512xi32, #tpu.memory_space<smem>>, %arg4: memref<512xi32, #tpu.memory_space<smem>>, %arg5: memref<1xi32, #tpu.memory_space<smem>>) -> (i32, i32) {
    %c0_i32 = arith.constant 0 : i32
    %c0_i32_0 = arith.constant 0 : i32
    %c0_i32_1 = arith.constant 0 : i32
    return %c0_i32, %c0_i32_0 : i32, i32
  }
  func.func @transform_7(%arg0: i32, %arg1: memref<512xi32, #tpu.memory_space<smem>>, %arg2: memref<512xi32, #tpu.memory_space<smem>>, %arg3: memref<512xi32, #tpu.memory_space<smem>>, %arg4: memref<512xi32, #tpu.memory_space<smem>>, %arg5: memref<1xi32, #tpu.memory_space<smem>>) -> (i32, i32) {
    %c0_i32 = arith.constant 0 : i32
    %c0_i32_0 = arith.constant 0 : i32
    %c0_i32_1 = arith.constant 0 : i32
    return %c0_i32, %c0_i32_0 : i32, i32
  }
  func.func @transform_8(%arg0: i32, %arg1: memref<512xi32, #tpu.memory_space<smem>>, %arg2: memref<512xi32, #tpu.memory_space<smem>>, %arg3: memref<512xi32, #tpu.memory_space<smem>>, %arg4: memref<512xi32, #tpu.memory_space<smem>>, %arg5: memref<1xi32, #tpu.memory_space<smem>>) -> (i32, i32) {
    %c0_i32 = arith.constant 0 : i32
    %c0_i32_0 = arith.constant 0 : i32
    %c0_i32_1 = arith.constant 0 : i32
    return %c0_i32, %c0_i32_0 : i32, i32
  }
  func.func @transform_9(%arg0: i32, %arg1: memref<512xi32, #tpu.memory_space<smem>>, %arg2: memref<512xi32, #tpu.memory_space<smem>>, %arg3: memref<512xi32, #tpu.memory_space<smem>>, %arg4: memref<512xi32, #tpu.memory_space<smem>>, %arg5: memref<1xi32, #tpu.memory_space<smem>>) -> (i32, i32) {
    %c0_i32 = arith.constant 0 : i32
    %c0_i32_0 = arith.constant 0 : i32
    %c0_i32_1 = arith.constant 0 : i32
    return %c0_i32, %c0_i32_0 : i32, i32
  }
  func.func @transform_10(%arg0: i32, %arg1: memref<512xi32, #tpu.memory_space<smem>>, %arg2: memref<512xi32, #tpu.memory_space<smem>>, %arg3: memref<512xi32, #tpu.memory_space<smem>>, %arg4: memref<512xi32, #tpu.memory_space<smem>>, %arg5: memref<1xi32, #tpu.memory_space<smem>>) -> (i32, i32) {
    %c0_i32 = arith.constant 0 : i32
    %c0_i32_0 = arith.constant 0 : i32
    %c0_i32_1 = arith.constant 0 : i32
    return %c0_i32, %c0_i32_0 : i32, i32
  }
  func.func @transform_11(%arg0: i32, %arg1: memref<512xi32, #tpu.memory_space<smem>>, %arg2: memref<512xi32, #tpu.memory_space<smem>>, %arg3: memref<512xi32, #tpu.memory_space<smem>>, %arg4: memref<512xi32, #tpu.memory_space<smem>>, %arg5: memref<1xi32, #tpu.memory_space<smem>>) -> (i32, i32) {
    %c0_i32 = arith.constant 0 : i32
    %c0_i32_0 = arith.constant 0 : i32
    %c0_i32_1 = arith.constant 0 : i32
    return %c0_i32, %c0_i32_0 : i32, i32
  }
  func.func @transform_12(%arg0: i32, %arg1: memref<512xi32, #tpu.memory_space<smem>>, %arg2: memref<512xi32, #tpu.memory_space<smem>>, %arg3: memref<512xi32, #tpu.memory_space<smem>>, %arg4: memref<512xi32, #tpu.memory_space<smem>>, %arg5: memref<1xi32, #tpu.memory_space<smem>>) -> (i32, i32) {
    %c0_i32 = arith.constant 0 : i32
    %c0_i32_0 = arith.constant 0 : i32
    %c0_i32_1 = arith.constant 0 : i32
    return %c0_i32, %c0_i32_0 : i32, i32
  }
  func.func @transform_13(%arg0: i32, %arg1: memref<512xi32, #tpu.memory_space<smem>>, %arg2: memref<512xi32, #tpu.memory_space<smem>>, %arg3: memref<512xi32, #tpu.memory_space<smem>>, %arg4: memref<512xi32, #tpu.memory_space<smem>>, %arg5: memref<1xi32, #tpu.memory_space<smem>>) -> (i32, i32) {
    %c0_i32 = arith.constant 0 : i32
    %c0_i32_0 = arith.constant 0 : i32
    %c0_i32_1 = arith.constant 0 : i32
    return %c0_i32, %c0_i32_0 : i32, i32
  }
  func.func @transform_14(%arg0: i32, %arg1: memref<512xi32, #tpu.memory_space<smem>>, %arg2: memref<512xi32, #tpu.memory_space<smem>>, %arg3: memref<512xi32, #tpu.memory_space<smem>>, %arg4: memref<512xi32, #tpu.memory_space<smem>>, %arg5: memref<1xi32, #tpu.memory_space<smem>>) -> (i32, i32) {
    %c0_i32 = arith.constant 0 : i32
    %c0_i32_0 = arith.constant 0 : i32
    %c0_i32_1 = arith.constant 0 : i32
    return %c0_i32, %c0_i32_0 : i32, i32
  }
  func.func @transform_15(%arg0: i32, %arg1: memref<512xi32, #tpu.memory_space<smem>>, %arg2: memref<512xi32, #tpu.memory_space<smem>>, %arg3: memref<512xi32, #tpu.memory_space<smem>>, %arg4: memref<512xi32, #tpu.memory_space<smem>>, %arg5: memref<1xi32, #tpu.memory_space<smem>>) -> (i32, i32) {
    %c0_i32 = arith.constant 0 : i32
    %c0_i32_0 = arith.constant 0 : i32
    %c0_i32_1 = arith.constant 0 : i32
    return %c0_i32, %c0_i32_0 : i32, i32
  }
  func.func @transform_16(%arg0: i32, %arg1: memref<512xi32, #tpu.memory_space<smem>>, %arg2: memref<512xi32, #tpu.memory_space<smem>>, %arg3: memref<512xi32, #tpu.memory_space<smem>>, %arg4: memref<512xi32, #tpu.memory_space<smem>>, %arg5: memref<1xi32, #tpu.memory_space<smem>>) -> (i32, i32) {
    %c0_i32 = arith.constant 0 : i32
    %c0_i32_0 = arith.constant 0 : i32
    %c0_i32_1 = arith.constant 0 : i32
    return %c0_i32, %c0_i32_0 : i32, i32
  }
}

</mosaic_0001>

<sc_bundles>
// kernel: sparse-core-data-format-call.cloned.1.call-start
scs
called_computation_lowered:
.L_overlay_start_0:
0x0: {  	s2 =	sld [smem:$0x3FD9]  }
0x1: {  	s3 =	sld [smem:$0x3FFE];
	_ =	sdelay $0x1  }
0x2: {  	s1 =	srdreg.scid  }
0x3: {  	s0 =	sand.u32 $0x1, s1  }
0x4: {  	s18 =	sshll.u32 s0, $0xA;
	s2 =	sadd.s32 s3, s2  }
0x5: {  	s2 =	sadd.s32 s2, s18  }
0x6: {  	[smem:$0x3FBA] =	sst s2  }
0x7: {  	_ = 	snop  }
0x8: {  	s2 =	sld [smem:$0x3FD0];
	(tm) =	ssettm $0x1  }
0x9: {  	s19 =	sld [smem:$0x3FFB];
	_ =	sdelay $0x3  }
0xa: {  	_ =	strace s19  }
0xb: {  	s3 =	sld [smem:$0x3FFC];
	_ =	sdelay $0x3  }
0xc: {  	_ =	strace s3  }
0xd: {  	s3 =	sld [smem:$0x3FFD];
	_ =	sdelay $0x3  }
0xe: {  	_ =	strace s3  }
0xf: {  	_ =	strace $0x8FFFFFFF  }
0x10: {  	s20 =	sld [smem:$0x3FDB];
	_ =	sdelay $0x1  }
0x11: {  	s4 =	simm.s32 $_scs_section_size  }
0x12: {  	s5 =	simm.s32 $_size__tile_overlayer_lowered;
	s6 =	simm.s32 $_tile_overlayer_lowered  }
0x13: {  	s23 =	simm.s32 $0x1BFF;
	s22 =	sshll.u32 s6, $0x1;
	s3 =	sadd.s32 s4, s20  }
0x14: {  	s7 =	simm.s32 $0x0;
	s21 =	sshll.u32 s5, $0x1;
	s5 =	sadd.s32 s22, s3  }
0x15: {  	[timem:s7], [sflag:s23] =	dma.local [hbm:s5], s21  }
0x16: {  	_ =	swait.ge [sflag:s23], s21  }
0x17: {  	s4 =	ssub.s32 $0x0, s21;
	[sflag:s23] =	ssyncset.done $0x0  }
0x18: {  	[sflag:s23] =	ssyncadd.s32 s4;
	_ =	sdelay $0x1  }
0x19: {  	s24 =	simm.s32 $0x1B8B  }
0x1a: {  	_ =	swait.ge [sflag:s24], $0x1  }
0x1b: {  	[sflag:s24] =	ssyncset.done $0x0  }
0x1c: {  	s26 =	simm.s32 $0x1B8E;
	s25 =	sld [smem:$0x3FFE];
	[sflag:s24] =	ssyncadd.s32 $0xFFFFFFFF  }
0x1d: {  	s27 =	simm.s32 $execute0_lowered;
	[smem:$0x3FD2] =	sst s26  }
0x1e: {  	s5 =	sshll.u32 s27, $0x1;
	_ =	strace $0x80000046;
	[dreg:$0x1] =	wrdreg $0xFFFFFFFF  }
0x1f: {  	s28 =	simm.s32 $_size_execute0_lowered;
	s3 =	sadd.s32 s3, s5;
	[dreg:$0x0] =	wrdreg $0x0  }
0x20: {  	s5 =	sshll.u32 s28, $0x1;
	[dreg:$0x2] =	wrdreg s3  }
0x21: {  	[dreg:$0x3] =	wrdreg s5  }
0x22: {  	[dreg:$0x4] =	wrdreg $0xC0  }
0x23: {  	_ =	task [dreg:s7], $0x5FFFF  }
0x24: {  	[dreg:$0x1] =	wrdreg $0xFFFFFFFF  }
0x25: {  	[dreg:$0x0] =	wrdreg $0x60  }
0x26: {  	[dreg:$0x2] =	wrdreg s25  }
0x27: {  	[dreg:$0x3] =	wrdreg s2  }
0x28: {  	[dreg:$0x4] =	wrdreg $0x9  }
0x29: {  	_ =	task.clear_ibuf [dreg:s7], $0x5FFFF;
	_ =	strace $0x90000046  }
0x2a: {  	s29 =	simm.s32 $0x9;
	_ =	strace $0x80000048  }
0x2b: {  	_ =	swait.ge [sflag:s29], $0x1  }
0x2c: {  	[sflag:s29] =	ssyncadd.s32 $0xFFFFFFFF  }
0x2d: {  	_ =	strace $0x90000048  }
0x2e: {  	_ =	sfence  }
0x2f: {  	s30 =	sld [smem:$0x0];
	_ =	sdelay $0x2  }
0x30: {  	s31 =	sshll.u32 s1, $0xD;
	s1 =	sshrl.u32 s1, $0x2  }
0x31: {  	s3 =	sand.u32 $0x4000, s31;
	s1 =	sadd.s32 s1, s30  }
0x32: {  	s0 =	sor.u32 s3, s0;
	s1 =	sshll.u32 s1, $0x11  }
0x33: {  	s0 =	sor.u32 s1, s0  }
0x34: {  	s0 =	sadd.s32 $0x8F2B, s0  }
0x35: {  	[sflag:s0] =	ssyncadd.remote.s32 $0x1  }
0x36: {  	_ =	sfence.sel $0xFFFF  }
0x37: {  	[dreg:$0x0] =	wrdreg $0xFFFFFFFF;
	(pc) =	sbr.abs _section_cstart, $3  }
0x38: {  	[dreg:$0x1] =	wrdreg $0xFFFFFFFF  }
0x39: {  	_ =	task.clear_ibuf [dreg:s7], $0x2FFFF;
	_ =	strace $0x9FFFFFFF  }
0x3a: {  	(tm) =	ssettm $0x7FFFFFFF  }
0x3b: {  	_ =	shalt  }
tec
execute0_lowered:
.L_overlay_start_1:
0x0: {  	(tag) =	ssettag $0x1  }
0x1: {  	s1 =	rddreg [dreg:$0x0]  }
0x2: {  	s2 =	rddreg [dreg:$0x1]  }
0x3: {  	s0 =	rddreg [dreg:$0x2]  }
0x4: {  	s4 =	srdreg.scid;
	_ =	strace $0x80000047;
	s6 =	simm.s32 $0x2  }
0x5: {  	s12 =	simm.s32 $0x0;
	p0 =	por $0x0, $0x0;
	s13 =	simm.s32 $0x0  }
.Ltmp0:
0x6: {  	s8 =	simm.s32 $0x0;
	s9 =	simm.s32 $0x0;
	(pc) =	sbr.rel .LBB1_1-.Ltmp0, $4  }
0x7: {  	s10 =	simm.s32 $0x0;
	s3 =	sadd.s32 $0x835F600, s1;
	s4 =	sshll.u32 s4, $0x4  }
0x8: {  	s1 =	stileid.u32;
	s5 =	sand.u32 $0x10, s4;
	s4 =	simm.s32 $0x1  }
0x9: {  	s7 =	simm.s32 $0x0;
	s5 =	sor.u32 s1, s5;
	[sflag:s4] =	ssyncpa.u1 $0x0  }
0xa: {  	[sflag:s6] =	ssyncpa.u1 $0x0;
	s6 =	simm.s32 $0x8000;
	s11 =	smov.u32 s5  }
.LBB1_5:
0xb: {  	p1 =	slt.u32 s7, $0x2  }
0xc: {  	p2 =	sgt.s32 @!p1 s13, $0x1FF  }
0xd: {  	s14 =	smov.u32 s13;
	s15 =	sshra.s32 @!p1 s13, $0x1F;
	p2 =	por !p2, p1  }
0xe: {  	s16 =	sshra.s32 @!p1 s12, $0x1F;
	s14 =	simm.s32 @p2 $0x1FF;
	p2 =	sgt.s32 @!p1 s12, $0x3F80  }
0xf: {  	s13 =	sand.u32 @!p1 s15, s13;
	s15 =	smov.u32 s12;
	p2 =	por !p2, p1  }
0x10: {  	s12 =	sand.u32 @!p1 s16, s12;
	s13 =	ssub.s32 @!p1 s14, s13;
	s15 =	simm.s32 @p2 $0x3F80  }
0x11: {  	s13 =	sadd.s32 @!p1 $0xFFFFFE01, s13;
	s12 =	ssub.s32 @!p1 s15, s12  }
0x12: {  	s16 =	smov.u32 s11;
	s14 =	sshll.u32 @!p1 s13, $0x1;
	s15 =	sadd.s32 @!p1 $0xFFFFC080, s12  }
0x13: {  	p2 =	sgt.s32 @!p1 s13, $0x0;
	s13 =	ssub.s32 @!p1 $0x2, s14;
	p3 =	sgt.s32 @!p1 s15, $0x7F  }
0x14: {  	p2 =	por !p2, p1;
	s12 =	ssub.s32 @!p1 $0x4000, s12;
	p3 =	por !p3, p1  }
0x15: {  	s14 =	sadd.s32 $0x80, s10;
	s13 =	simm.s32 @!p2 $0x0;
	s12 =	simm.s32 @!p3 $0x0  }
0x16: {  	p2 =	sgt.s32 s14, $0x3FFF;
	s12 =	smul.u32 @!p1 s12, s13;
	s13 =	sadd.s32 $0x20, s11  }
0x17: {  	s16 =	smov.u32 @p2 s13  }
0x18: {  	s7 =	sadd.s32 $0x1, s7;
	s14 =	simm.s32 @p2 $0x0;
	p2 =	sgt.s32 s16, $0x1FF  }
0x19: {  	s16 =	smov.u32 @p2 s5;
	p2 =	sne.s32 s7, $0x802  }
.Ltmp1:
0x1a: {  	p0 =	por !p0, !p0;
	(pc) =	sbr.rel @!p2 .LBB1_6-.Ltmp1, $4  }
0x1b: {  	s15 =	simm.s32 @!p1 $0x2;
	s13 =	smov.u32 s9;
	s12 =	sand.u32 @!p1 $0x3FFFFFFE, s12  }
0x1c: {  	s9 =	smov.u32 s11;
	_ =	swait.ge @!p1 [sflag:s15], s12;
	s17 =	ssub.s32 @!p1 $0x0, s12  }
0x1d: {  	s12 =	smov.u32 s8;
	s8 =	smov.u32 s10;
	[sflag:s15] =	ssyncset.done @!p1 $0x0  }
0x1e: {  	s10 =	smov.u32 s14;
	s11 =	smov.u32 s16;
	[sflag:s15] =	ssyncadd.s32 @!p1 s17  }
.LBB1_1:
0x1f: {  	p1 =	sgt.u32 s7, $0x7FF  }
0x20: {  	s14 =	sxor.u32 @!p1 $0xFFFFFFFF, s7  }
0x21: {  	s15 =	sshll.u32 @!p1 s11, $0x12;
	s16 =	sshll.u32 @!p1 s10, $0x4;
	s17 =	simm.s32 @!p1 $0x80  }
0x22: {  	s14 =	sshll.u32 @!p1 s14, $0xC;
	s16 =	sand.u32 @!p1 $0x3FFF0, s16;
	s15 =	sadd.s32 @!p1 s3, s15  }
0x23: {  	s14 =	sand.u32 @!p1 $0x1000, s14;
	s15 =	sadd.s32 @!p1 s16, s15;
	s16 =	simm.s32 @!p1 $0x20  }
0x24: {  	[tilespmem:s14], [sflag:$0x1] =	stream.strided.gather @!p1 [hbm4b:s15+s16], $0x1000, s17, s16, $0x38;
	[tilespmem:$0x4040] =	vst v63  }
0x25: {  	p1 =	seq.s32 s7, $0x0  }
0x26: {  	p2 =	seq.s32 @!p1 s7, $0x801  }
0x27: {  	p1 =	por p1, p2  }
.Ltmp2:
0x28: {  	_ = 	snop;
	(pc) =	sbr.rel @p1 .LBB1_5-.Ltmp2, $1  }
0x29: {  	_ =	sdelay $0x3  }
0x2a: {  	s14 =	simm.s32 $0x1  }
0x2b: {  	_ =	swait.ge [sflag:s4], $0x1000;
	s14 =	simm.s32 @!p0 $0x0  }
0x2c: {  	[sflag:s4] =	ssyncset.done $0x0;
	s15 =	sshll.u32 s14, $0xC  }
0x2d: {  	[sflag:s4] =	ssyncadd.s32 $0xFFFFF000;
	s18 =	sor.u32 $0x10, s15  }
0x2e: {  	s14 =	smul.u32 $0x4080, s14;
	v1 =	vld [tilespmem:s18+$0x0]  }
0x2f: {  	s30 =	sand.u32 $0x1, s7;
	v0 =	vld [tilespmem:s18+$0xFFFFFFF0]  }
0x30: {  	s15 =	smul.u32 $0x4080, s30;
	s14 =	sshrl.u32 s14, $0x2  }
0x31: {  	s16 =	sor.u32 $0x2000, s14  }
0x32: {  	s31 =	sshrl.u32 s15, $0x2;
	s15 =	sadd.s32 $0x0, s16  }
0x33: {  	s17 =	simm.s32 $0x4;
	s18 =	sadd.s32 $0x20, s18;
	s14 =	sor.u32 $0x2000, s31;
	[tilespmem:s15+$0x810 ss:$0x81] =	vst.msk $0xffff, v1  }
.LBB1_3:
0x34: {  	v1 =	vld [tilespmem:s18+$0x0];
	p1 =	sne.s32 s17, $0x1FC;
	[tilespmem:s15+$0x0 ss:$0x81] =	vst.msk $0xffff, v0;
	s15 =	smov.u32 s17;
	s17 =	sadd.s32 $0x4, s17  }
.Ltmp3:
0x35: {  	v0 =	vld [tilespmem:s18+$0xFFFFFFF0];
	(pc) =	sbr.rel @p1 .LBB1_3-.Ltmp3, $4  }
0x36: {  	_ = 	snop  }
0x37: {  	s15 =	sshra.s32 s15, $0x2  }
0x38: {  	s15 =	sadd.s32 s15, s16  }
0x39: {  	s18 =	sadd.s32 $0x20, s18;
	[tilespmem:s15+$0x810 ss:$0x81] =	vst.msk $0xffff, v1  }
0x3a: {  	p1 =	sgt.s32 s9, $0x1FF;
	s16 =	smov.u32 s9  }
0x3b: {  	s17 =	sshra.s32 s9, $0x1F;
	s18 =	sand.u32 $0x78, s8;
	s19 =	sshra.s32 s8, $0x1F  }
0x3c: {  	s20 =	sshll.u32 s8, $0x1;
	s25 =	sshll.u32 s9, $0xC;
	s26 =	sshrl.u32 s8, $0x2  }
0x3d: {  	s27 =	sand.u32 $0x7, s8;
	s16 =	simm.s32 @!p1 $0x1FF;
	s17 =	sand.u32 s17, s9  }
0x3e: {  	p1 =	sgt.s32 s8, $0x3F80;
	s16 =	ssub.s32 s16, s17;
	s17 =	smov.u32 s8  }
0x3f: {  	s19 =	sand.u32 s19, s8;
	s20 =	sand.u32 $0x3F00, s20;
	s17 =	simm.s32 @!p1 $0x3F80  }
0x40: {  	s18 =	sor.u32 s18, s20;
	s16 =	sadd.s32 $0xFFFFFE01, s16;
	s17 =	ssub.s32 s17, s19  }
0x41: {  	p1 =	sgt.s32 s16, $0x0;
	s16 =	sshll.u32 s16, $0x1;
	s19 =	sadd.s32 $0xFFFFC080, s17  }
0x42: {  	s16 =	ssub.s32 $0x2, s16;
	s17 =	ssub.s32 $0x4000, s17;
	p2 =	sgt.s32 s19, $0x7F  }
.Ltmp4:
0x43: {  	s16 =	simm.s32 @p1 $0x0;
	s17 =	simm.s32 @p2 $0x0;
	(pc) =	sbr.rel .LBB1_5-.Ltmp4, $4  }
0x44: {  	s19 =	sand.u32 $0x800, s26;
	s16 =	smul.u32 s17, s16;
	s17 =	sadd.s32 s2, s25  }
0x45: {  	s28 =	sshll.u32 s27, $0x12;
	s18 =	sshrl.u32 s18, $0x3;
	s17 =	sadd.s32 s19, s17  }
0x46: {  	[tilespmem:s15+$0x0 ss:$0x81] =	vst.msk $0xffff, v0;
	s31 =	sor.u32 $0x100, s28;
	s29 =	sand.u32 $0x3FFFFFFE, s16;
	s30 =	sadd.s32 s18, s17  }
0x47: {  	[hbm4b:s30+s31] =	stream.strided.scatter [tilespmem:s14], [sflag:$0x2], s29, s6, s31, $0x20;
	[tilespmem:$0x4040] =	vst v63  }
.LBB1_6:
0x48: {  	_ =	sfence.sel $0x180000  }
0x49: {  	s2 =	simm.s32 $0x1;
	[bflag:$0x0] =	sbarrier.arrive $0xFFFF  }
0x4a: {  	s31 =	simm.s32 $0x2;
	[sflag:s2] =	ssyncpa.u1 $0x1  }
0x4b: {  	[sflag:s31] =	ssyncpa.u1 $0x1  }
0x4c: {  	p0 =	sne.s32 s1, $0x0;
	_ =	strace $0x90000047  }
0x4d: {  	s0 =	sadd.s32 @!p0 $0x100000, s0;
	[bflag:$0x2] =	sbarrier.arrive $0xFFFF  }
0x4e: {  	[sflag:s0] =	ssyncadd.tile.s32 @!p0 $0x1;
	_ =	shalt  }
.Lfunc_end1:
_tile_overlayer_lowered:
.L_overlay_start_2:
0x4f: {  	(tag) =	ssettag $0x2  }
0x50: {  	s0 =	rddreg [dreg:$0x0];
	s2 =	stileid.u32  }
0x51: {  	s1 =	rddreg [dreg:$0x1];
	p0 =	sne.s32 s2, $0x0  }
0x52: {  	s3 =	rddreg [dreg:$0x2];
	[bflag:$0x3] =	sbarrier.arrive $0xFFFF;
	s2 =	simm.s32 @!p0 $0x1C01  }
0x53: {  	[timem:s3], [sflag:s2] =	dma.local @!p0 [hbm:s0], s1  }
0x54: {  	s0 =	simm.s32 @!p0 $0x1  }
0x55: {  	_ =	swait.ge @!p0 [sflag:s0], s1  }
0x56: {  	s1 =	ssub.s32 @!p0 $0x0, s1;
	[sflag:s0] =	ssyncset.done @!p0 $0x0  }
0x57: {  	[sflag:s0] =	ssyncadd.s32 @!p0 s1  }
0x58: {  	[bflag:$0x3] =	sbarrier.arrive $0xFFFF  }
0x59: {  	_ =	shalt  }

</sc_bundles>
